<compile_context>
chip_gen: v7x
topology: tpu7x:2x2x1
jax: 0.10.2.dev20260603
libtpu: 0.0.44.dev20260713+nightly
codegen_flags: <defaults>
</compile_context>

<pallas_src>
import dataclasses
import functools

import jax
import jax.numpy as jnp
from jax import lax
from jax.experimental import pallas as pl
from jax.experimental.pallas import tpu as pltpu
from jax.experimental.pallas import tpu_sc as plsc

NC = 2
NS = 16
NW = NC * NS
LANES = 16
CHUNK = 80
EDGE_DTYPE = jnp.float32

_sc_mesh = functools.partial(
    plsc.VectorSubcoreMesh, core_axis_name="c", subcore_axis_name="s"
)


def _sc_params():
    cp = pltpu.CompilerParams()
    fields = pltpu.CompilerParams.__dataclass_fields__
    if "needs_layout_passes" in fields:
        cp = dataclasses.replace(cp, needs_layout_passes=False)
    if "use_tc_tiling_on_sc" in fields:
        cp = dataclasses.replace(cp, use_tc_tiling_on_sc=False)
    return cp


def _sc_degree(edges, n, e, block_rows):
    epw = e // NW
    grid = n // block_rows

    @pl.kernel(
        out_type=jax.ShapeDtypeStruct((grid, NW, block_rows), jnp.float32),
        mesh=_sc_mesh(),
        scratch_types=[
            pltpu.VMEM((epw,), jnp.int32),
            pltpu.VMEM((n,), jnp.float32),
            pltpu.SemaphoreType.DMA,
        ],
        compiler_params=_sc_params(),
    )
    def deg_kernel(edge_hbm, hist_hbm, dst_v, hist_v, sem):
        w = lax.axis_index("c") * NS + lax.axis_index("s")
        pltpu.async_copy(edge_hbm.at[pl.ds(e + w * epw, epw)], dst_v, sem).wait()

        zeros = jnp.zeros((LANES,), jnp.float32)

        @pl.loop(0, n, step=LANES, unroll=8)
        def _(i):
            hist_v[pl.ds(i, LANES)] = zeros

        ones = jnp.ones((LANES,), jnp.float32)

        @pl.loop(0, epw, step=LANES, unroll=8)
        def _(i):
            idx = dst_v[pl.ds(i, LANES)]
            plsc.addupdate_scatter(hist_v, [idx], ones)

        @pl.loop(0, grid)
        def _(i):
            pltpu.async_copy(
                hist_v.at[pl.ds(i * block_rows, block_rows)],
                hist_hbm.at[i, w],
                sem,
            ).wait()

    return deg_kernel(edges)


def _tc_transform(X, W, b2, hists, block_rows):
    n, d_in = X.shape
    d_hid = W.shape[1]
    grid, nw, _ = hists.shape

    def body(x_ref, w_ref, b_ref, hist_ref, g_ref, dinv_ref):
        deg = jnp.sum(hist_ref[0], axis=0) + 1.0
        dinv = lax.rsqrt(deg)
        h = (
            jnp.dot(x_ref[...], w_ref[...], preferred_element_type=jnp.float32)
            + b_ref[...]
        )
        g_ref[...] = (h * dinv[:, None]).astype(g_ref.dtype)
        dinv_ref[...] = dinv[:, None]

    return pl.pallas_call(
        body,
        grid=(grid,),
        in_specs=[
            pl.BlockSpec((block_rows, d_in), lambda i: (i, 0)),
            pl.BlockSpec((d_in, d_hid), lambda i: (0, 0)),
            pl.BlockSpec((1, d_hid), lambda i: (0, 0)),
            pl.BlockSpec((1, nw, block_rows), lambda i: (i, 0, 0)),
        ],
        out_specs=[
            pl.BlockSpec((block_rows, d_hid), lambda i: (i, 0)),
            pl.BlockSpec((block_rows, 1), lambda i: (i, 0)),
        ],
        out_shape=[
            jax.ShapeDtypeStruct((n, d_hid), EDGE_DTYPE),
            jax.ShapeDtypeStruct((n, 1), jnp.float32),
        ],
    )(X, W, b2, hists)


def _sc_scatter(g, zeros, edges, chunk):
    n, d = g.shape
    e = edges.shape[0] // 2
    epw = e // NW
    nch = epw // chunk
    rows_per_tile = n // NS

    @pl.kernel(
        out_type=jax.ShapeDtypeStruct((NC, n, d), g.dtype),
        mesh=_sc_mesh(),
        scratch_types=[
            pltpu.VMEM((epw,), jnp.int32),
            pltpu.VMEM((epw,), jnp.int32),
            [pltpu.VMEM((chunk, d), g.dtype)] * 3,
            pltpu.VMEM_SHARED((n, d), g.dtype),
            [pltpu.SemaphoreType.DMA] * 3,
            [pltpu.SemaphoreType.DMA] * 3,
        ],
        compiler_params=_sc_params(),
    )
    def scat_kernel(
        g_hbm, z_hbm, edge_hbm, out_hbm, si_v, di_v, bufs,
        acc_sh, gsems, ssems,
    ):
        c = lax.axis_index("c")
        s = lax.axis_index("s")
        w = c * NS + s

        pltpu.async_copy(edge_hbm.at[pl.ds(w * epw, epw)], si_v, gsems[0]).wait()
        pltpu.async_copy(
            edge_hbm.at[pl.ds(e + w * epw, epw)], di_v, gsems[1]
        ).wait()

        tile_rows = pl.ds(s * rows_per_tile, rows_per_tile)

        @pl.when(c == 0)
        def _():
            pltpu.sync_copy(g_hbm.at[tile_rows], acc_sh.at[tile_rows])

        @pl.when(c != 0)
        def _():
            pltpu.sync_copy(z_hbm.at[tile_rows], acc_sh.at[tile_rows])

        plsc.subcore_barrier()

        def src_at(j):
            return g_hbm.at[si_v.at[pl.ds(j * chunk, chunk)]]

        def dst_at(j):
            return acc_sh.at[di_v.at[pl.ds(j * chunk, chunk)]]

        def start_g(j, k):
            pltpu.async_copy(src_at(j), bufs[k], gsems[k])

        def wait_g(j, k):
            pltpu.make_async_copy(src_at(j), bufs[k], gsems[k]).wait()

        def start_s(j, k):
            pltpu.async_copy(bufs[k], dst_at(j), ssems[k], add=True)

        def wait_s(j, k):
            pltpu.make_async_copy(bufs[k], dst_at(j), ssems[k]).wait()

        def step(j, k, first=False, last=False):
            wait_g(j, k)
            start_s(j, k)
            if not first:
                wait_s(j - 1, (k + 2) % 3)
            if not last:
                start_g(j + 2, (k + 2) % 3)

        start_g(0, 0)
        start_g(1, 1)
        step(0, 0, first=True)

        @pl.loop(0, (nch - 5) // 3)
        def _(m):
            base = 3 * m + 1

            for k in range(3):
                step(base + k, (1 + k) % 3)

        step(nch - 4, (nch - 4) % 3)
        step(nch - 3, (nch - 3) % 3)
        step(nch - 2, (nch - 2) % 3, last=True)
        step(nch - 1, (nch - 1) % 3, last=True)
        wait_s(nch - 1, (nch - 1) % 3)

        plsc.subcore_barrier()

        pltpu.sync_copy(acc_sh.at[tile_rows], out_hbm.at[c, tile_rows])

    return scat_kernel(g, zeros, edges)


def _tc_logsoftmax(acc, dinv, block_rows):
    _, n, d = acc.shape
    grid = n // block_rows

    def body(a_ref, dinv_ref, o_ref):
        z = dinv_ref[...] * (
            a_ref[0].astype(jnp.float32) + a_ref[1].astype(jnp.float32)
        )
        m = jnp.max(z, axis=1, keepdims=True)
        e = jnp.exp(z - m)
        ssum = jnp.sum(e, axis=1, keepdims=True)
        o_ref[...] = z - m - jnp.log(ssum)

    return pl.pallas_call(
        body,
        grid=(grid,),
        in_specs=[
            pl.BlockSpec((2, block_rows, d), lambda i: (0, i, 0)),
            pl.BlockSpec((block_rows, 1), lambda i: (i, 0)),
        ],
        out_specs=pl.BlockSpec((block_rows, d), lambda i: (i, 0)),
        out_shape=jax.ShapeDtypeStruct((n, d), jnp.float32),
    )(acc, dinv)


def kernel(X, Edge_Index, W, b):
    n, d_in = X.shape
    e = Edge_Index.shape[1]
    d_hid = W.shape[1]

    edges = Edge_Index.reshape(2 * e)

    hists = _sc_degree(edges, n, e, block_rows=1000)
    g, dinv = _tc_transform(X, W, b.reshape(1, d_hid), hists, block_rows=1000)
    zeros = jnp.zeros((n, d_hid), EDGE_DTYPE)
    acc = _sc_scatter(g, zeros, edges, CHUNK)
    return _tc_logsoftmax(acc, dinv, block_rows=1000)

# --- scband reference (transcript-rebuilt; emitter-appended) ---
"""Pipeline reference for scband-gcn-classifier-64750926954746 (READ-ONLY COPY).

The authoritative reference and input builder live on the scoring server;
editing this copy changes nothing except your own understanding.
"""

import jax, jax.numpy as jnp
import numpy as np

N = 10000
E = 320000
IN = 128
HID = 128


def setup_inputs(seed: int = 0) -> dict:
    key = jax.random.key(seed)
    k1, k2, k3, k4 = jax.random.split(key, 4)
    X = jax.random.normal(k1, (N, IN), dtype=jnp.float32)
    Edge_Index = jax.random.randint(k2, (2, E), 0, N, dtype=jnp.int32)
    # CustomGCNConv learned params (standard GCNConv: lin weight + bias)
    W = jax.random.normal(k3, (IN, HID), dtype=jnp.float32) * (1.0 / np.sqrt(IN))
    b = jnp.zeros((HID,), dtype=jnp.float32)
    return {"X": X, "Edge_Index": Edge_Index, "W": W, "b": b}


def _gcn_conv(X, Edge_Index, W, b):
    n = X.shape[0]
    # add self-loops (standard GCNConv behavior)
    loops = jnp.arange(n, dtype=Edge_Index.dtype)
    src = jnp.concatenate([Edge_Index[0], loops])
    dst = jnp.concatenate([Edge_Index[1], loops])
    h = X @ W + b
    # symmetric normalization deg^{-1/2}
    deg = jnp.zeros((n,), X.dtype).at[dst].add(1.0)
    dinv = jax.lax.rsqrt(jnp.maximum(deg, 1.0))
    norm = dinv[src] * dinv[dst]
    msg = h[src] * norm[:, None]
    out = jnp.zeros((n, h.shape[1]), X.dtype).at[dst].add(msg)
    return out


def reference(X, Edge_Index, W, b):
    h = _gcn_conv(X, Edge_Index, W, b)
    return jax.nn.log_softmax(h, axis=1)

if __name__ == "__main__":
    import jax
    _d = setup_inputs()
    print(jax.jit(kernel)(*tuple(_d.values())))

</pallas_src>

<mosaic_0001>
#map = affine_map<(d0, d1) -> (0)>
#map1 = affine_map<(d0, d1) -> (0, 0, 0)>
module attributes {stable_mosaic.version = 14 : i64} {
  func.func @deg_kernel(%arg0: i32, %arg1: i32, %arg2: memref<640000xi32, #tpu.memory_space<hbm>>, %arg3: memref<10x32x1000xf32, #tpu.memory_space<hbm>>, %arg4: memref<10000xi32, #tpu.memory_space<vmem>>, %arg5: memref<10000xf32, #tpu.memory_space<vmem>>, %arg6: memref<!tpu.dma_semaphore, #tpu.memory_space<semaphore_mem>>) attributes {dimension_semantics = [#tpu.dimension_semantics<core_parallel>, #tpu.dimension_semantics<subcore_parallel>], iteration_bounds = array<i64: 2, 16>, scalar_prefetch = 0 : i64, scratch_operands = 3 : i64, tpu.core_type = #tpu.core_type<sc_vector_subcore>, window_params = [{transform_indices = #map}, {transform_indices = #map1}]} {
    %mul3A = arith.constant 16 : i32
    %mul3A_0 = arith.muli %arg0, %mul3A : i32
    %add3A = arith.addi %mul3A_0, %arg1 : i32
    %mul3A_1 = arith.constant 10000 : i32
    %mul3A_2 = arith.muli %add3A, %mul3A_1 : i32
    %add3A_3 = arith.constant 320000 : i32
    %add3A_4 = arith.addi %add3A_3, %mul3A_2 : i32
    %dma_start3A = tpu.memref_slice %arg2[%add3A_4] : memref<640000xi32, #tpu.memory_space<hbm>> -> memref<10000xi32, #tpu.memory_space<hbm>>
    %dma_start3A_5 = tpu.memref_slice %arg2[%add3A_4] : memref<640000xi32, #tpu.memory_space<hbm>> -> memref<10000xi32, #tpu.memory_space<hbm>>
    tpu.enqueue_dma source(%dma_start3A_5 : memref<10000xi32, #tpu.memory_space<hbm>>) target(%arg4 : memref<10000xi32, #tpu.memory_space<vmem>>) target_semaphore(%arg6 : memref<!tpu.dma_semaphore, #tpu.memory_space<semaphore_mem>>)
    %dma_wait3A = tpu.memref_slice %arg2[%add3A_4] : memref<640000xi32, #tpu.memory_space<hbm>> -> memref<10000xi32, #tpu.memory_space<hbm>>
    %dma_wait3A_6 = tpu.memref_slice %arg2[%add3A_4] : memref<640000xi32, #tpu.memory_space<hbm>> -> memref<10000xi32, #tpu.memory_space<hbm>>
    tpu.wait_dma2 semaphore(%arg6 : memref<!tpu.dma_semaphore, #tpu.memory_space<semaphore_mem>>) src(%dma_wait3A_6 : memref<10000xi32, #tpu.memory_space<hbm>>) dst(%arg4 : memref<10000xi32, #tpu.memory_space<vmem>>)
    %broadcast_in_dim3A = arith.constant 0.000000e+00 : f32
    %broadcast_in_dim3A_7 = vector.broadcast %broadcast_in_dim3A : f32 to vector<16xf32>
    %scan3A = arith.constant 0 : i32
    %scan3A_8 = arith.constant 624 : i32
    %scan3A_9 = arith.addi %scan3A, %scan3A_8 : i32
    %scan3A_10 = arith.constant 8 : i32
    scf.for %scan3A_38 = %scan3A to %scan3A_9 step %scan3A_10  : i32 {
      %mul3A_39 = arith.constant 16 : i32
      %mul3A_40 = arith.muli %scan3A_38, %mul3A_39 : i32
      %add3A_41 = arith.constant 0 : i32
      %add3A_42 = arith.addi %add3A_41, %mul3A_40 : i32
      %swap3A_43 = arith.index_cast %add3A_42 : i32 to index
      %swap3A_44 = tpu.vector_load %arg5[%swap3A_43] {strides = array<i32>} : memref<10000xf32, #tpu.memory_space<vmem>>, vector<16xf32>,
      tpu.vector_store %arg5[%swap3A_43], %broadcast_in_dim3A_7 {strides = array<i32>} : memref<10000xf32, #tpu.memory_space<vmem>>, vector<16xf32>,
      %scan3A_45 = arith.constant 1 : i32
      %scan3A_46 = arith.addi %scan3A_38, %scan3A_45 : i32
      %mul3A_47 = arith.constant 16 : i32
      %mul3A_48 = arith.muli %scan3A_46, %mul3A_47 : i32
      %add3A_49 = arith.constant 0 : i32
      %add3A_50 = arith.addi %add3A_49, %mul3A_48 : i32
      %swap3A_51 = arith.index_cast %add3A_50 : i32 to index
      %swap3A_52 = tpu.vector_load %arg5[%swap3A_51] {strides = array<i32>} : memref<10000xf32, #tpu.memory_space<vmem>>, vector<16xf32>,
      tpu.vector_store %arg5[%swap3A_51], %broadcast_in_dim3A_7 {strides = array<i32>} : memref<10000xf32, #tpu.memory_space<vmem>>, vector<16xf32>,
      %scan3A_53 = arith.constant 2 : i32
      %scan3A_54 = arith.addi %scan3A_38, %scan3A_53 : i32
      %mul3A_55 = arith.constant 16 : i32
      %mul3A_56 = arith.muli %scan3A_54, %mul3A_55 : i32
      %add3A_57 = arith.constant 0 : i32
      %add3A_58 = arith.addi %add3A_57, %mul3A_56 : i32
      %swap3A_59 = arith.index_cast %add3A_58 : i32 to index
      %swap3A_60 = tpu.vector_load %arg5[%swap3A_59] {strides = array<i32>} : memref<10000xf32, #tpu.memory_space<vmem>>, vector<16xf32>,
      tpu.vector_store %arg5[%swap3A_59], %broadcast_in_dim3A_7 {strides = array<i32>} : memref<10000xf32, #tpu.memory_space<vmem>>, vector<16xf32>,
      %scan3A_61 = arith.constant 3 : i32
      %scan3A_62 = arith.addi %scan3A_38, %scan3A_61 : i32
      %mul3A_63 = arith.constant 16 : i32
      %mul3A_64 = arith.muli %scan3A_62, %mul3A_63 : i32
      %add3A_65 = arith.constant 0 : i32
      %add3A_66 = arith.addi %add3A_65, %mul3A_64 : i32
      %swap3A_67 = arith.index_cast %add3A_66 : i32 to index
      %swap3A_68 = tpu.vector_load %arg5[%swap3A_67] {strides = array<i32>} : memref<10000xf32, #tpu.memory_space<vmem>>, vector<16xf32>,
      tpu.vector_store %arg5[%swap3A_67], %broadcast_in_dim3A_7 {strides = array<i32>} : memref<10000xf32, #tpu.memory_space<vmem>>, vector<16xf32>,
      %scan3A_69 = arith.constant 4 : i32
      %scan3A_70 = arith.addi %scan3A_38, %scan3A_69 : i32
      %mul3A_71 = arith.constant 16 : i32
      %mul3A_72 = arith.muli %scan3A_70, %mul3A_71 : i32
      %add3A_73 = arith.constant 0 : i32
      %add3A_74 = arith.addi %add3A_73, %mul3A_72 : i32
      %swap3A_75 = arith.index_cast %add3A_74 : i32 to index
      %swap3A_76 = tpu.vector_load %arg5[%swap3A_75] {strides = array<i32>} : memref<10000xf32, #tpu.memory_space<vmem>>, vector<16xf32>,
      tpu.vector_store %arg5[%swap3A_75], %broadcast_in_dim3A_7 {strides = array<i32>} : memref<10000xf32, #tpu.memory_space<vmem>>, vector<16xf32>,
      %scan3A_77 = arith.constant 5 : i32
      %scan3A_78 = arith.addi %scan3A_38, %scan3A_77 : i32
      %mul3A_79 = arith.constant 16 : i32
      %mul3A_80 = arith.muli %scan3A_78, %mul3A_79 : i32
      %add3A_81 = arith.constant 0 : i32
      %add3A_82 = arith.addi %add3A_81, %mul3A_80 : i32
      %swap3A_83 = arith.index_cast %add3A_82 : i32 to index
      %swap3A_84 = tpu.vector_load %arg5[%swap3A_83] {strides = array<i32>} : memref<10000xf32, #tpu.memory_space<vmem>>, vector<16xf32>,
      tpu.vector_store %arg5[%swap3A_83], %broadcast_in_dim3A_7 {strides = array<i32>} : memref<10000xf32, #tpu.memory_space<vmem>>, vector<16xf32>,
      %scan3A_85 = arith.constant 6 : i32
      %scan3A_86 = arith.addi %scan3A_38, %scan3A_85 : i32
      %mul3A_87 = arith.constant 16 : i32
      %mul3A_88 = arith.muli %scan3A_86, %mul3A_87 : i32
      %add3A_89 = arith.constant 0 : i32
      %add3A_90 = arith.addi %add3A_89, %mul3A_88 : i32
      %swap3A_91 = arith.index_cast %add3A_90 : i32 to index
      %swap3A_92 = tpu.vector_load %arg5[%swap3A_91] {strides = array<i32>} : memref<10000xf32, #tpu.memory_space<vmem>>, vector<16xf32>,
      tpu.vector_store %arg5[%swap3A_91], %broadcast_in_dim3A_7 {strides = array<i32>} : memref<10000xf32, #tpu.memory_space<vmem>>, vector<16xf32>,
      %scan3A_93 = arith.constant 7 : i32
      %scan3A_94 = arith.addi %scan3A_38, %scan3A_93 : i32
      %mul3A_95 = arith.constant 16 : i32
      %mul3A_96 = arith.muli %scan3A_94, %mul3A_95 : i32
      %add3A_97 = arith.constant 0 : i32
      %add3A_98 = arith.addi %add3A_97, %mul3A_96 : i32
      %swap3A_99 = arith.index_cast %add3A_98 : i32 to index
      %swap3A_100 = tpu.vector_load %arg5[%swap3A_99] {strides = array<i32>} : memref<10000xf32, #tpu.memory_space<vmem>>, vector<16xf32>,
      tpu.vector_store %arg5[%swap3A_99], %broadcast_in_dim3A_7 {strides = array<i32>} : memref<10000xf32, #tpu.memory_space<vmem>>, vector<16xf32>,
    }
    %scan3A_11 = arith.constant 624 : i32
    %scan3A_12 = arith.addi %scan3A, %scan3A_11 : i32
    %mul3A_13 = arith.constant 16 : i32
    %mul3A_14 = arith.muli %scan3A_12, %mul3A_13 : i32
    %add3A_15 = arith.constant 0 : i32
    %add3A_16 = arith.addi %add3A_15, %mul3A_14 : i32
    %swap3A = arith.index_cast %add3A_16 : i32 to index
    %swap3A_17 = tpu.vector_load %arg5[%swap3A] {strides = array<i32>} : memref<10000xf32, #tpu.memory_space<vmem>>, vector<16xf32>,
    tpu.vector_store %arg5[%swap3A], %broadcast_in_dim3A_7 {strides = array<i32>} : memref<10000xf32, #tpu.memory_space<vmem>>, vector<16xf32>,
    %scan3A_18 = arith.constant 625 : i32
    %broadcast_in_dim3A_19 = arith.constant 1.000000e+00 : f32
    %broadcast_in_dim3A_20 = vector.broadcast %broadcast_in_dim3A_19 : f32 to vector<16xf32>
    %scan3A_21 = arith.constant 0 : i32
    %scan3A_22 = arith.constant 624 : i32
    %scan3A_23 = arith.addi %scan3A_21, %scan3A_22 : i32
    %scan3A_24 = arith.constant 8 : i32
    scf.for %scan3A_38 = %scan3A_21 to %scan3A_23 step %scan3A_24  : i32 {
      %mul3A_39 = arith.constant 16 : i32
      %mul3A_40 = arith.muli %scan3A_38, %mul3A_39 : i32
      %add3A_41 = arith.constant 0 : i32
      %add3A_42 = arith.addi %add3A_41, %mul3A_40 : i32
      %get3A_43 = arith.index_cast %add3A_42 : i32 to index
      %get3A_44 = tpu.vector_load %arg4[%get3A_43] {strides = array<i32>} : memref<10000xi32, #tpu.memory_space<vmem>>, vector<16xi32>,
      tpu.vector_store_idx %arg5[%get3A_44], %broadcast_in_dim3A_20 {add = true} : memref<10000xf32, #tpu.memory_space<vmem>>[vector<16xi32>], vector<16xf32>,
      %scan3A_45 = arith.constant 1 : i32
      %scan3A_46 = arith.addi %scan3A_38, %scan3A_45 : i32
      %mul3A_47 = arith.constant 16 : i32
      %mul3A_48 = arith.muli %scan3A_46, %mul3A_47 : i32
      %add3A_49 = arith.constant 0 : i32
      %add3A_50 = arith.addi %add3A_49, %mul3A_48 : i32
      %get3A_51 = arith.index_cast %add3A_50 : i32 to index
      %get3A_52 = tpu.vector_load %arg4[%get3A_51] {strides = array<i32>} : memref<10000xi32, #tpu.memory_space<vmem>>, vector<16xi32>,
      tpu.vector_store_idx %arg5[%get3A_52], %broadcast_in_dim3A_20 {add = true} : memref<10000xf32, #tpu.memory_space<vmem>>[vector<16xi32>], vector<16xf32>,
      %scan3A_53 = arith.constant 2 : i32
      %scan3A_54 = arith.addi %scan3A_38, %scan3A_53 : i32
      %mul3A_55 = arith.constant 16 : i32
      %mul3A_56 = arith.muli %scan3A_54, %mul3A_55 : i32
      %add3A_57 = arith.constant 0 : i32
      %add3A_58 = arith.addi %add3A_57, %mul3A_56 : i32
      %get3A_59 = arith.index_cast %add3A_58 : i32 to index
      %get3A_60 = tpu.vector_load %arg4[%get3A_59] {strides = array<i32>} : memref<10000xi32, #tpu.memory_space<vmem>>, vector<16xi32>,
      tpu.vector_store_idx %arg5[%get3A_60], %broadcast_in_dim3A_20 {add = true} : memref<10000xf32, #tpu.memory_space<vmem>>[vector<16xi32>], vector<16xf32>,
      %scan3A_61 = arith.constant 3 : i32
      %scan3A_62 = arith.addi %scan3A_38, %scan3A_61 : i32
      %mul3A_63 = arith.constant 16 : i32
      %mul3A_64 = arith.muli %scan3A_62, %mul3A_63 : i32
      %add3A_65 = arith.constant 0 : i32
      %add3A_66 = arith.addi %add3A_65, %mul3A_64 : i32
      %get3A_67 = arith.index_cast %add3A_66 : i32 to index
      %get3A_68 = tpu.vector_load %arg4[%get3A_67] {strides = array<i32>} : memref<10000xi32, #tpu.memory_space<vmem>>, vector<16xi32>,
      tpu.vector_store_idx %arg5[%get3A_68], %broadcast_in_dim3A_20 {add = true} : memref<10000xf32, #tpu.memory_space<vmem>>[vector<16xi32>], vector<16xf32>,
      %scan3A_69 = arith.constant 4 : i32
      %scan3A_70 = arith.addi %scan3A_38, %scan3A_69 : i32
      %mul3A_71 = arith.constant 16 : i32
      %mul3A_72 = arith.muli %scan3A_70, %mul3A_71 : i32
      %add3A_73 = arith.constant 0 : i32
      %add3A_74 = arith.addi %add3A_73, %mul3A_72 : i32
      %get3A_75 = arith.index_cast %add3A_74 : i32 to index
      %get3A_76 = tpu.vector_load %arg4[%get3A_75] {strides = array<i32>} : memref<10000xi32, #tpu.memory_space<vmem>>, vector<16xi32>,
      tpu.vector_store_idx %arg5[%get3A_76], %broadcast_in_dim3A_20 {add = true} : memref<10000xf32, #tpu.memory_space<vmem>>[vector<16xi32>], vector<16xf32>,
      %scan3A_77 = arith.constant 5 : i32
      %scan3A_78 = arith.addi %scan3A_38, %scan3A_77 : i32
      %mul3A_79 = arith.constant 16 : i32
      %mul3A_80 = arith.muli %scan3A_78, %mul3A_79 : i32
      %add3A_81 = arith.constant 0 : i32
      %add3A_82 = arith.addi %add3A_81, %mul3A_80 : i32
      %get3A_83 = arith.index_cast %add3A_82 : i32 to index
      %get3A_84 = tpu.vector_load %arg4[%get3A_83] {strides = array<i32>} : memref<10000xi32, #tpu.memory_space<vmem>>, vector<16xi32>,
      tpu.vector_store_idx %arg5[%get3A_84], %broadcast_in_dim3A_20 {add = true} : memref<10000xf32, #tpu.memory_space<vmem>>[vector<16xi32>], vector<16xf32>,
      %scan3A_85 = arith.constant 6 : i32
      %scan3A_86 = arith.addi %scan3A_38, %scan3A_85 : i32
      %mul3A_87 = arith.constant 16 : i32
      %mul3A_88 = arith.muli %scan3A_86, %mul3A_87 : i32
      %add3A_89 = arith.constant 0 : i32
      %add3A_90 = arith.addi %add3A_89, %mul3A_88 : i32
      %get3A_91 = arith.index_cast %add3A_90 : i32 to index
      %get3A_92 = tpu.vector_load %arg4[%get3A_91] {strides = array<i32>} : memref<10000xi32, #tpu.memory_space<vmem>>, vector<16xi32>,
      tpu.vector_store_idx %arg5[%get3A_92], %broadcast_in_dim3A_20 {add = true} : memref<10000xf32, #tpu.memory_space<vmem>>[vector<16xi32>], vector<16xf32>,
      %scan3A_93 = arith.constant 7 : i32
      %scan3A_94 = arith.addi %scan3A_38, %scan3A_93 : i32
      %mul3A_95 = arith.constant 16 : i32
      %mul3A_96 = arith.muli %scan3A_94, %mul3A_95 : i32
      %add3A_97 = arith.constant 0 : i32
      %add3A_98 = arith.addi %add3A_97, %mul3A_96 : i32
      %get3A_99 = arith.index_cast %add3A_98 : i32 to index
      %get3A_100 = tpu.vector_load %arg4[%get3A_99] {strides = array<i32>} : memref<10000xi32, #tpu.memory_space<vmem>>, vector<16xi32>,
      tpu.vector_store_idx %arg5[%get3A_100], %broadcast_in_dim3A_20 {add = true} : memref<10000xf32, #tpu.memory_space<vmem>>[vector<16xi32>], vector<16xf32>,
    }
    %scan3A_25 = arith.constant 624 : i32
    %scan3A_26 = arith.addi %scan3A_21, %scan3A_25 : i32
    %mul3A_27 = arith.constant 16 : i32
    %mul3A_28 = arith.muli %scan3A_26, %mul3A_27 : i32
    %add3A_29 = arith.constant 0 : i32
    %add3A_30 = arith.addi %add3A_29, %mul3A_28 : i32
    %get3A = arith.index_cast %add3A_30 : i32 to index
    %get3A_31 = tpu.vector_load %arg4[%get3A] {strides = array<i32>} : memref<10000xi32, #tpu.memory_space<vmem>>, vector<16xi32>,
    tpu.vector_store_idx %arg5[%get3A_31], %broadcast_in_dim3A_20 {add = true} : memref<10000xf32, #tpu.memory_space<vmem>>[vector<16xi32>], vector<16xf32>,
    %scan3A_32 = arith.constant 625 : i32
    %scan3A_33 = arith.constant 0 : i32
    %scan3A_34 = arith.constant 10 : i32
    %scan3A_35 = arith.addi %scan3A_33, %scan3A_34 : i32
    %scan3A_36 = arith.constant 1 : i32
    scf.for %scan3A_38 = %scan3A_33 to %scan3A_35 step %scan3A_36  : i32 {
      %mul3A_39 = arith.constant 1 : i32
      %mul3A_40 = arith.muli %scan3A_38, %mul3A_39 : i32
      %add3A_41 = arith.constant 0 : i32
      %add3A_42 = arith.addi %add3A_41, %mul3A_40 : i32
      %mul3A_43 = arith.constant 1000 : i32
      %mul3A_44 = arith.muli %add3A_42, %mul3A_43 : i32
      %dma_start3A_45 = tpu.memref_slice %arg5[%mul3A_44] : memref<10000xf32, #tpu.memory_space<vmem>> -> memref<1000xf32, #tpu.memory_space<vmem>>
      %dma_start3A_46 = arith.constant 0 : i32
      %dma_start3A_47 = tpu.memref_slice %arg3[%add3A_42, %add3A, %dma_start3A_46] : memref<10x32x1000xf32, #tpu.memory_space<hbm>> -> memref<1x1x1000xf32, #tpu.memory_space<hbm>>
      %dma_start3A_48 = tpu.memref_squeeze %dma_start3A_47 : memref<1x1x1000xf32, #tpu.memory_space<hbm>> -> memref<1000xf32, #tpu.memory_space<hbm>>
      %dma_start3A_49 = arith.constant 0 : i32
      %dma_start3A_50 = tpu.memref_slice %arg3[%add3A_42, %add3A, %dma_start3A_49] : memref<10x32x1000xf32, #tpu.memory_space<hbm>> -> memref<1x1x1000xf32, #tpu.memory_space<hbm>>
      %dma_start3A_51 = tpu.memref_squeeze %dma_start3A_50 : memref<1x1x1000xf32, #tpu.memory_space<hbm>> -> memref<1000xf32, #tpu.memory_space<hbm>>
      %dma_start3A_52 = tpu.memref_slice %arg5[%mul3A_44] : memref<10000xf32, #tpu.memory_space<vmem>> -> memref<1000xf32, #tpu.memory_space<vmem>>
      tpu.enqueue_dma source(%dma_start3A_52 : memref<1000xf32, #tpu.memory_space<vmem>>) target(%dma_start3A_51 : memref<1000xf32, #tpu.memory_space<hbm>>) target_semaphore(%arg6 : memref<!tpu.dma_semaphore, #tpu.memory_space<semaphore_mem>>)
      %dma_wait3A_53 = tpu.memref_slice %arg5[%mul3A_44] : memref<10000xf32, #tpu.memory_space<vmem>> -> memref<1000xf32, #tpu.memory_space<vmem>>
      %dma_wait3A_54 = arith.constant 0 : i32
      %dma_wait3A_55 = tpu.memref_slice %arg3[%add3A_42, %add3A, %dma_wait3A_54] : memref<10x32x1000xf32, #tpu.memory_space<hbm>> -> memref<1x1x1000xf32, #tpu.memory_space<hbm>>
      %dma_wait3A_56 = tpu.memref_squeeze %dma_wait3A_55 : memref<1x1x1000xf32, #tpu.memory_space<hbm>> -> memref<1000xf32, #tpu.memory_space<hbm>>
      %dma_wait3A_57 = arith.constant 0 : i32
      %dma_wait3A_58 = tpu.memref_slice %arg3[%add3A_42, %add3A, %dma_wait3A_57] : memref<10x32x1000xf32, #tpu.memory_space<hbm>> -> memref<1x1x1000xf32, #tpu.memory_space<hbm>>
      %dma_wait3A_59 = tpu.memref_squeeze %dma_wait3A_58 : memref<1x1x1000xf32, #tpu.memory_space<hbm>> -> memref<1000xf32, #tpu.memory_space<hbm>>
      %dma_wait3A_60 = tpu.memref_slice %arg5[%mul3A_44] : memref<10000xf32, #tpu.memory_space<vmem>> -> memref<1000xf32, #tpu.memory_space<vmem>>
      tpu.wait_dma2 semaphore(%arg6 : memref<!tpu.dma_semaphore, #tpu.memory_space<semaphore_mem>>) src(%dma_wait3A_60 : memref<1000xf32, #tpu.memory_space<vmem>>) dst(%dma_wait3A_59 : memref<1000xf32, #tpu.memory_space<hbm>>)
    }
    %scan3A_37 = arith.constant 10 : i32
    return
  }
}

#map = affine_map<(d0, d1) -> (0, 0)>
#map1 = affine_map<(d0, d1) -> (0)>
#map2 = affine_map<(d0, d1) -> (0, 0, 0)>
module attributes {stable_mosaic.version = 14 : i64} {
  func.func @scat_kernel(%arg0: i32, %arg1: i32, %arg2: memref<10000x128xf32, #tpu.memory_space<hbm>>, %arg3: memref<10000x128xf32, #tpu.memory_space<hbm>>, %arg4: memref<640000xi32, #tpu.memory_space<hbm>>, %arg5: memref<2x10000x128xf32, #tpu.memory_space<hbm>>, %arg6: memref<10000xi32, #tpu.memory_space<vmem>>, %arg7: memref<10000xi32, #tpu.memory_space<vmem>>, %arg8: memref<80x128xf32, #tpu.memory_space<vmem>>, %arg9: memref<80x128xf32, #tpu.memory_space<vmem>>, %arg10: memref<80x128xf32, #tpu.memory_space<vmem>>, %arg11: memref<10000x128xf32, #tpu.memory_space<vmem_shared>>, %arg12: memref<!tpu.dma_semaphore, #tpu.memory_space<semaphore_mem>>, %arg13: memref<!tpu.dma_semaphore, #tpu.memory_space<semaphore_mem>>, %arg14: memref<!tpu.dma_semaphore, #tpu.memory_space<semaphore_mem>>, %arg15: memref<!tpu.dma_semaphore, #tpu.memory_space<semaphore_mem>>, %arg16: memref<!tpu.dma_semaphore, #tpu.memory_space<semaphore_mem>>, %arg17: memref<!tpu.dma_semaphore, #tpu.memory_space<semaphore_mem>>) attributes {dimension_semantics = [#tpu.dimension_semantics<core_parallel>, #tpu.dimension_semantics<subcore_parallel>], iteration_bounds = array<i64: 2, 16>, scalar_prefetch = 0 : i64, scratch_operands = 12 : i64, tpu.core_type = #tpu.core_type<sc_vector_subcore>, window_params = [{transform_indices = #map}, {transform_indices = #map}, {transform_indices = #map1}, {transform_indices = #map2}]} {
    %mul3A = arith.constant 16 : i32
    %mul3A_0 = arith.muli %arg0, %mul3A : i32
    %add3A = arith.addi %mul3A_0, %arg1 : i32
    %mul3A_1 = arith.constant 10000 : i32
    %mul3A_2 = arith.muli %add3A, %mul3A_1 : i32
    %dma_start3A = tpu.memref_slice %arg4[%mul3A_2] : memref<640000xi32, #tpu.memory_space<hbm>> -> memref<10000xi32, #tpu.memory_space<hbm>>
    %dma_start3A_3 = tpu.memref_slice %arg4[%mul3A_2] : memref<640000xi32, #tpu.memory_space<hbm>> -> memref<10000xi32, #tpu.memory_space<hbm>>
    tpu.enqueue_dma source(%dma_start3A_3 : memref<10000xi32, #tpu.memory_space<hbm>>) target(%arg6 : memref<10000xi32, #tpu.memory_space<vmem>>) target_semaphore(%arg12 : memref<!tpu.dma_semaphore, #tpu.memory_space<semaphore_mem>>)
    %dma_wait3A = tpu.memref_slice %arg4[%mul3A_2] : memref<640000xi32, #tpu.memory_space<hbm>> -> memref<10000xi32, #tpu.memory_space<hbm>>
    %dma_wait3A_4 = tpu.memref_slice %arg4[%mul3A_2] : memref<640000xi32, #tpu.memory_space<hbm>> -> memref<10000xi32, #tpu.memory_space<hbm>>
    tpu.wait_dma2 semaphore(%arg12 : memref<!tpu.dma_semaphore, #tpu.memory_space<semaphore_mem>>) src(%dma_wait3A_4 : memref<10000xi32, #tpu.memory_space<hbm>>) dst(%arg6 : memref<10000xi32, #tpu.memory_space<vmem>>)
    %mul3A_5 = arith.constant 10000 : i32
    %mul3A_6 = arith.muli %add3A, %mul3A_5 : i32
    %add3A_7 = arith.constant 320000 : i32
    %add3A_8 = arith.addi %add3A_7, %mul3A_6 : i32
    %dma_start3A_9 = tpu.memref_slice %arg4[%add3A_8] : memref<640000xi32, #tpu.memory_space<hbm>> -> memref<10000xi32, #tpu.memory_space<hbm>>
    %dma_start3A_10 = tpu.memref_slice %arg4[%add3A_8] : memref<640000xi32, #tpu.memory_space<hbm>> -> memref<10000xi32, #tpu.memory_space<hbm>>
    tpu.enqueue_dma source(%dma_start3A_10 : memref<10000xi32, #tpu.memory_space<hbm>>) target(%arg7 : memref<10000xi32, #tpu.memory_space<vmem>>) target_semaphore(%arg13 : memref<!tpu.dma_semaphore, #tpu.memory_space<semaphore_mem>>)
    %dma_wait3A_11 = tpu.memref_slice %arg4[%add3A_8] : memref<640000xi32, #tpu.memory_space<hbm>> -> memref<10000xi32, #tpu.memory_space<hbm>>
    %dma_wait3A_12 = tpu.memref_slice %arg4[%add3A_8] : memref<640000xi32, #tpu.memory_space<hbm>> -> memref<10000xi32, #tpu.memory_space<hbm>>
    tpu.wait_dma2 semaphore(%arg13 : memref<!tpu.dma_semaphore, #tpu.memory_space<semaphore_mem>>) src(%dma_wait3A_12 : memref<10000xi32, #tpu.memory_space<hbm>>) dst(%arg7 : memref<10000xi32, #tpu.memory_space<vmem>>)
    %mul3A_13 = arith.constant 625 : i32
    %mul3A_14 = arith.muli %arg1, %mul3A_13 : i32
    %eq3A = arith.constant 0 : i32
    %eq3A_15 = arith.cmpi eq, %arg0, %eq3A : i32
    %convert_element_type3A = arith.extui %eq3A_15 : i1 to i32
    %cond3A = arith.constant 0 : i32
    %cond3A_16 = arith.cmpi ne, %convert_element_type3A, %cond3A : i32
    scf.if %cond3A_16 {
      "tpu.region"() ({
        %run_scoped3A = tpu.sem_alloc : memref<!tpu.dma_semaphore, #tpu.memory_space<semaphore_mem>>
        %dma_start3A_126 = arith.constant 0 : i32
        %dma_start3A_127 = tpu.memref_slice %arg11[%mul3A_14, %dma_start3A_126] : memref<10000x128xf32, #tpu.memory_space<vmem_shared>> -> memref<625x128xf32, #tpu.memory_space<vmem_shared>>
        %dma_start3A_128 = arith.constant 0 : i32
        %dma_start3A_129 = tpu.memref_slice %arg2[%mul3A_14, %dma_start3A_128] : memref<10000x128xf32, #tpu.memory_space<hbm>> -> memref<625x128xf32, #tpu.memory_space<hbm>>
        tpu.enqueue_dma source(%dma_start3A_129 : memref<625x128xf32, #tpu.memory_space<hbm>>) target(%dma_start3A_127 : memref<625x128xf32, #tpu.memory_space<vmem_shared>>) target_semaphore(%run_scoped3A : memref<!tpu.dma_semaphore, #tpu.memory_space<semaphore_mem>>)
        %dma_wait3A_130 = arith.constant 0 : i32
        %dma_wait3A_131 = tpu.memref_slice %arg11[%mul3A_14, %dma_wait3A_130] : memref<10000x128xf32, #tpu.memory_space<vmem_shared>> -> memref<625x128xf32, #tpu.memory_space<vmem_shared>>
        %dma_wait3A_132 = arith.constant 0 : i32
        %dma_wait3A_133 = tpu.memref_slice %arg2[%mul3A_14, %dma_wait3A_132] : memref<10000x128xf32, #tpu.memory_space<hbm>> -> memref<625x128xf32, #tpu.memory_space<hbm>>
        tpu.wait_dma2 semaphore(%run_scoped3A : memref<!tpu.dma_semaphore, #tpu.memory_space<semaphore_mem>>) src(%dma_wait3A_133 : memref<625x128xf32, #tpu.memory_space<hbm>>) dst(%dma_wait3A_131 : memref<625x128xf32, #tpu.memory_space<vmem_shared>>)
        tpu.yield
      }) : () -> ()
    } else {
    }
    %ne3A = arith.constant 0 : i32
    %ne3A_17 = arith.cmpi ne, %arg0, %ne3A : i32
    %convert_element_type3A_18 = arith.extui %ne3A_17 : i1 to i32
    %cond3A_19 = arith.constant 0 : i32
    %cond3A_20 = arith.cmpi ne, %convert_element_type3A_18, %cond3A_19 : i32
    scf.if %cond3A_20 {
      "tpu.region"() ({
        %run_scoped3A = tpu.sem_alloc : memref<!tpu.dma_semaphore, #tpu.memory_space<semaphore_mem>>
        %dma_start3A_126 = arith.constant 0 : i32
        %dma_start3A_127 = tpu.memref_slice %arg11[%mul3A_14, %dma_start3A_126] : memref<10000x128xf32, #tpu.memory_space<vmem_shared>> -> memref<625x128xf32, #tpu.memory_space<vmem_shared>>
        %dma_start3A_128 = arith.constant 0 : i32
        %dma_start3A_129 = tpu.memref_slice %arg3[%mul3A_14, %dma_start3A_128] : memref<10000x128xf32, #tpu.memory_space<hbm>> -> memref<625x128xf32, #tpu.memory_space<hbm>>
        tpu.enqueue_dma source(%dma_start3A_129 : memref<625x128xf32, #tpu.memory_space<hbm>>) target(%dma_start3A_127 : memref<625x128xf32, #tpu.memory_space<vmem_shared>>) target_semaphore(%run_scoped3A : memref<!tpu.dma_semaphore, #tpu.memory_space<semaphore_mem>>)
        %dma_wait3A_130 = arith.constant 0 : i32
        %dma_wait3A_131 = tpu.memref_slice %arg11[%mul3A_14, %dma_wait3A_130] : memref<10000x128xf32, #tpu.memory_space<vmem_shared>> -> memref<625x128xf32, #tpu.memory_space<vmem_shared>>
        %dma_wait3A_132 = arith.constant 0 : i32
        %dma_wait3A_133 = tpu.memref_slice %arg3[%mul3A_14, %dma_wait3A_132] : memref<10000x128xf32, #tpu.memory_space<hbm>> -> memref<625x128xf32, #tpu.memory_space<hbm>>
        tpu.wait_dma2 semaphore(%run_scoped3A : memref<!tpu.dma_semaphore, #tpu.memory_space<semaphore_mem>>) src(%dma_wait3A_133 : memref<625x128xf32, #tpu.memory_space<hbm>>) dst(%dma_wait3A_131 : memref<625x128xf32, #tpu.memory_space<vmem_shared>>)
        tpu.yield
      }) : () -> ()
    } else {
    }
    %barrier3A = arith.constant 0 : index
    tpu.barrier barrier_id(%barrier3A)
    %dma_start3A_21 = arith.constant 0 : i32
    %dma_start3A_22 = tpu.memref_slice %arg6[%dma_start3A_21] : memref<10000xi32, #tpu.memory_space<vmem>> -> memref<80xi32, #tpu.memory_space<vmem>>
    %dma_start3A_23 = arith.constant 0 : i32
    %dma_start3A_24 = arith.constant 0 : i32
    %dma_start3A_25 = tpu.memref_slice %arg2[%dma_start3A_23, %dma_start3A_24] : memref<10000x128xf32, #tpu.memory_space<hbm>> -> memref<10000x128xf32, #tpu.memory_space<hbm>>
    tpu.enqueue_indirect_dma source(%dma_start3A_25 : memref<10000x128xf32, #tpu.memory_space<hbm>>) target(%arg8 : memref<80x128xf32, #tpu.memory_space<vmem>>) offsets(%dma_start3A_22 : memref<80xi32, #tpu.memory_space<vmem>>) semaphore(%arg12 : memref<!tpu.dma_semaphore, #tpu.memory_space<semaphore_mem>>)
    %dma_start3A_26 = arith.constant 80 : i32
    %dma_start3A_27 = tpu.memref_slice %arg6[%dma_start3A_26] : memref<10000xi32, #tpu.memory_space<vmem>> -> memref<80xi32, #tpu.memory_space<vmem>>
    %dma_start3A_28 = arith.constant 0 : i32
    %dma_start3A_29 = arith.constant 0 : i32
    %dma_start3A_30 = tpu.memref_slice %arg2[%dma_start3A_28, %dma_start3A_29] : memref<10000x128xf32, #tpu.memory_space<hbm>> -> memref<10000x128xf32, #tpu.memory_space<hbm>>
    tpu.enqueue_indirect_dma source(%dma_start3A_30 : memref<10000x128xf32, #tpu.memory_space<hbm>>) target(%arg9 : memref<80x128xf32, #tpu.memory_space<vmem>>) offsets(%dma_start3A_27 : memref<80xi32, #tpu.memory_space<vmem>>) semaphore(%arg13 : memref<!tpu.dma_semaphore, #tpu.memory_space<semaphore_mem>>)
    %dma_wait3A_31 = arith.constant 0 : i32
    %dma_wait3A_32 = tpu.memref_slice %arg6[%dma_wait3A_31] : memref<10000xi32, #tpu.memory_space<vmem>> -> memref<80xi32, #tpu.memory_space<vmem>>
    %dma_wait3A_33 = arith.constant 0 : i32
    %dma_wait3A_34 = arith.constant 0 : i32
    %dma_wait3A_35 = tpu.memref_slice %arg2[%dma_wait3A_33, %dma_wait3A_34] : memref<10000x128xf32, #tpu.memory_space<hbm>> -> memref<10000x128xf32, #tpu.memory_space<hbm>>
    tpu.wait_indirect_dma semaphore(%arg12 : memref<!tpu.dma_semaphore, #tpu.memory_space<semaphore_mem>>) src(%dma_wait3A_35 : memref<10000x128xf32, #tpu.memory_space<hbm>>) dst(%arg8 : memref<80x128xf32, #tpu.memory_space<vmem>>)
    %dma_start3A_36 = arith.constant 0 : i32
    %dma_start3A_37 = tpu.memref_slice %arg7[%dma_start3A_36] : memref<10000xi32, #tpu.memory_space<vmem>> -> memref<80xi32, #tpu.memory_space<vmem>>
    %dma_start3A_38 = arith.constant 0 : i32
    %dma_start3A_39 = arith.constant 0 : i32
    %dma_start3A_40 = tpu.memref_slice %arg11[%dma_start3A_38, %dma_start3A_39] : memref<10000x128xf32, #tpu.memory_space<vmem_shared>> -> memref<10000x128xf32, #tpu.memory_space<vmem_shared>>
    tpu.enqueue_indirect_dma source(%arg8 : memref<80x128xf32, #tpu.memory_space<vmem>>) target(%dma_start3A_40 : memref<10000x128xf32, #tpu.memory_space<vmem_shared>>) offsets(%dma_start3A_37 : memref<80xi32, #tpu.memory_space<vmem>>) semaphore(%arg15 : memref<!tpu.dma_semaphore, #tpu.memory_space<semaphore_mem>>) {add = true}
    %dma_start3A_41 = arith.constant 160 : i32
    %dma_start3A_42 = tpu.memref_slice %arg6[%dma_start3A_41] : memref<10000xi32, #tpu.memory_space<vmem>> -> memref<80xi32, #tpu.memory_space<vmem>>
    %dma_start3A_43 = arith.constant 0 : i32
    %dma_start3A_44 = arith.constant 0 : i32
    %dma_start3A_45 = tpu.memref_slice %arg2[%dma_start3A_43, %dma_start3A_44] : memref<10000x128xf32, #tpu.memory_space<hbm>> -> memref<10000x128xf32, #tpu.memory_space<hbm>>
    tpu.enqueue_indirect_dma source(%dma_start3A_45 : memref<10000x128xf32, #tpu.memory_space<hbm>>) target(%arg10 : memref<80x128xf32, #tpu.memory_space<vmem>>) offsets(%dma_start3A_42 : memref<80xi32, #tpu.memory_space<vmem>>) semaphore(%arg14 : memref<!tpu.dma_semaphore, #tpu.memory_space<semaphore_mem>>)
    %scan3A = arith.constant 0 : i32
    %scan3A_46 = arith.constant 40 : i32
    %scan3A_47 = arith.addi %scan3A, %scan3A_46 : i32
    %scan3A_48 = arith.constant 1 : i32
    scf.for %scan3A_126 = %scan3A to %scan3A_47 step %scan3A_48  : i32 {
      %mul3A_127 = arith.constant 1 : i32
      %mul3A_128 = arith.muli %scan3A_126, %mul3A_127 : i32
      %add3A_129 = arith.constant 0 : i32
      %add3A_130 = arith.addi %add3A_129, %mul3A_128 : i32
      %mul3A_131 = arith.constant 3 : i32
      %mul3A_132 = arith.muli %mul3A_131, %add3A_130 : i32
      %add3A_133 = arith.constant 1 : i32
      %add3A_134 = arith.addi %mul3A_132, %add3A_133 : i32
      %add3A_135 = arith.constant 0 : i32
      %add3A_136 = arith.addi %add3A_134, %add3A_135 : i32
      %mul3A_137 = arith.constant 80 : i32
      %mul3A_138 = arith.muli %add3A_136, %mul3A_137 : i32
      %dma_wait3A_139 = tpu.memref_slice %arg6[%mul3A_138] : memref<10000xi32, #tpu.memory_space<vmem>> -> memref<80xi32, #tpu.memory_space<vmem>>
      %dma_wait3A_140 = arith.constant 0 : i32
      %dma_wait3A_141 = arith.constant 0 : i32
      %dma_wait3A_142 = tpu.memref_slice %arg2[%dma_wait3A_140, %dma_wait3A_141] : memref<10000x128xf32, #tpu.memory_space<hbm>> -> memref<10000x128xf32, #tpu.memory_space<hbm>>
      tpu.wait_indirect_dma semaphore(%arg13 : memref<!tpu.dma_semaphore, #tpu.memory_space<semaphore_mem>>) src(%dma_wait3A_142 : memref<10000x128xf32, #tpu.memory_space<hbm>>) dst(%arg9 : memref<80x128xf32, #tpu.memory_space<vmem>>)
      %mul3A_143 = arith.constant 80 : i32
      %mul3A_144 = arith.muli %add3A_136, %mul3A_143 : i32
      %dma_start3A_145 = tpu.memref_slice %arg7[%mul3A_144] : memref<10000xi32, #tpu.memory_space<vmem>> -> memref<80xi32, #tpu.memory_space<vmem>>
      %dma_start3A_146 = arith.constant 0 : i32
      %dma_start3A_147 = arith.constant 0 : i32
      %dma_start3A_148 = tpu.memref_slice %arg11[%dma_start3A_146, %dma_start3A_147] : memref<10000x128xf32, #tpu.memory_space<vmem_shared>> -> memref<10000x128xf32, #tpu.memory_space<vmem_shared>>
      tpu.enqueue_indirect_dma source(%arg9 : memref<80x128xf32, #tpu.memory_space<vmem>>) target(%dma_start3A_148 : memref<10000x128xf32, #tpu.memory_space<vmem_shared>>) offsets(%dma_start3A_145 : memref<80xi32, #tpu.memory_space<vmem>>) semaphore(%arg16 : memref<!tpu.dma_semaphore, #tpu.memory_space<semaphore_mem>>) {add = true}
      %sub3A = arith.constant 1 : i32
      %sub3A_149 = arith.subi %add3A_136, %sub3A : i32
      %mul3A_150 = arith.constant 80 : i32
      %mul3A_151 = arith.muli %sub3A_149, %mul3A_150 : i32
      %dma_wait3A_152 = tpu.memref_slice %arg7[%mul3A_151] : memref<10000xi32, #tpu.memory_space<vmem>> -> memref<80xi32, #tpu.memory_space<vmem>>
      %dma_wait3A_153 = arith.constant 0 : i32
      %dma_wait3A_154 = arith.constant 0 : i32
      %dma_wait3A_155 = tpu.memref_slice %arg11[%dma_wait3A_153, %dma_wait3A_154] : memref<10000x128xf32, #tpu.memory_space<vmem_shared>> -> memref<10000x128xf32, #tpu.memory_space<vmem_shared>>
      tpu.wait_indirect_dma semaphore(%arg15 : memref<!tpu.dma_semaphore, #tpu.memory_space<semaphore_mem>>) src(%arg8 : memref<80x128xf32, #tpu.memory_space<vmem>>) dst(%dma_wait3A_155 : memref<10000x128xf32, #tpu.memory_space<vmem_shared>>)
      %add3A_156 = arith.constant 2 : i32
      %add3A_157 = arith.addi %add3A_136, %add3A_156 : i32
      %mul3A_158 = arith.constant 80 : i32
      %mul3A_159 = arith.muli %add3A_157, %mul3A_158 : i32
      %dma_start3A_160 = tpu.memref_slice %arg6[%mul3A_159] : memref<10000xi32, #tpu.memory_space<vmem>> -> memref<80xi32, #tpu.memory_space<vmem>>
      %dma_start3A_161 = arith.constant 0 : i32
      %dma_start3A_162 = arith.constant 0 : i32
      %dma_start3A_163 = tpu.memref_slice %arg2[%dma_start3A_161, %dma_start3A_162] : memref<10000x128xf32, #tpu.memory_space<hbm>> -> memref<10000x128xf32, #tpu.memory_space<hbm>>
      tpu.enqueue_indirect_dma source(%dma_start3A_163 : memref<10000x128xf32, #tpu.memory_space<hbm>>) target(%arg8 : memref<80x128xf32, #tpu.memory_space<vmem>>) offsets(%dma_start3A_160 : memref<80xi32, #tpu.memory_space<vmem>>) semaphore(%arg12 : memref<!tpu.dma_semaphore, #tpu.memory_space<semaphore_mem>>)
      %add3A_164 = arith.constant 1 : i32
      %add3A_165 = arith.addi %add3A_134, %add3A_164 : i32
      %mul3A_166 = arith.constant 80 : i32
      %mul3A_167 = arith.muli %add3A_165, %mul3A_166 : i32
      %dma_wait3A_168 = tpu.memref_slice %arg6[%mul3A_167] : memref<10000xi32, #tpu.memory_space<vmem>> -> memref<80xi32, #tpu.memory_space<vmem>>
      %dma_wait3A_169 = arith.constant 0 : i32
      %dma_wait3A_170 = arith.constant 0 : i32
      %dma_wait3A_171 = tpu.memref_slice %arg2[%dma_wait3A_169, %dma_wait3A_170] : memref<10000x128xf32, #tpu.memory_space<hbm>> -> memref<10000x128xf32, #tpu.memory_space<hbm>>
      tpu.wait_indirect_dma semaphore(%arg14 : memref<!tpu.dma_semaphore, #tpu.memory_space<semaphore_mem>>) src(%dma_wait3A_171 : memref<10000x128xf32, #tpu.memory_space<hbm>>) dst(%arg10 : memref<80x128xf32, #tpu.memory_space<vmem>>)
      %mul3A_172 = arith.constant 80 : i32
      %mul3A_173 = arith.muli %add3A_165, %mul3A_172 : i32
      %dma_start3A_174 = tpu.memref_slice %arg7[%mul3A_173] : memref<10000xi32, #tpu.memory_space<vmem>> -> memref<80xi32, #tpu.memory_space<vmem>>
      %dma_start3A_175 = arith.constant 0 : i32
      %dma_start3A_176 = arith.constant 0 : i32
      %dma_start3A_177 = tpu.memref_slice %arg11[%dma_start3A_175, %dma_start3A_176] : memref<10000x128xf32, #tpu.memory_space<vmem_shared>> -> memref<10000x128xf32, #tpu.memory_space<vmem_shared>>
      tpu.enqueue_indirect_dma source(%arg10 : memref<80x128xf32, #tpu.memory_space<vmem>>) target(%dma_start3A_177 : memref<10000x128xf32, #tpu.memory_space<vmem_shared>>) offsets(%dma_start3A_174 : memref<80xi32, #tpu.memory_space<vmem>>) semaphore(%arg17 : memref<!tpu.dma_semaphore, #tpu.memory_space<semaphore_mem>>) {add = true}
      %sub3A_178 = arith.constant 1 : i32
      %sub3A_179 = arith.subi %add3A_165, %sub3A_178 : i32
      %mul3A_180 = arith.constant 80 : i32
      %mul3A_181 = arith.muli %sub3A_179, %mul3A_180 : i32
      %dma_wait3A_182 = tpu.memref_slice %arg7[%mul3A_181] : memref<10000xi32, #tpu.memory_space<vmem>> -> memref<80xi32, #tpu.memory_space<vmem>>
      %dma_wait3A_183 = arith.constant 0 : i32
      %dma_wait3A_184 = arith.constant 0 : i32
      %dma_wait3A_185 = tpu.memref_slice %arg11[%dma_wait3A_183, %dma_wait3A_184] : memref<10000x128xf32, #tpu.memory_space<vmem_shared>> -> memref<10000x128xf32, #tpu.memory_space<vmem_shared>>
      tpu.wait_indirect_dma semaphore(%arg16 : memref<!tpu.dma_semaphore, #tpu.memory_space<semaphore_mem>>) src(%arg9 : memref<80x128xf32, #tpu.memory_space<vmem>>) dst(%dma_wait3A_185 : memref<10000x128xf32, #tpu.memory_space<vmem_shared>>)
      %add3A_186 = arith.constant 2 : i32
      %add3A_187 = arith.addi %add3A_165, %add3A_186 : i32
      %mul3A_188 = arith.constant 80 : i32
      %mul3A_189 = arith.muli %add3A_187, %mul3A_188 : i32
      %dma_start3A_190 = tpu.memref_slice %arg6[%mul3A_189] : memref<10000xi32, #tpu.memory_space<vmem>> -> memref<80xi32, #tpu.memory_space<vmem>>
      %dma_start3A_191 = arith.constant 0 : i32
      %dma_start3A_192 = arith.constant 0 : i32
      %dma_start3A_193 = tpu.memref_slice %arg2[%dma_start3A_191, %dma_start3A_192] : memref<10000x128xf32, #tpu.memory_space<hbm>> -> memref<10000x128xf32, #tpu.memory_space<hbm>>
      tpu.enqueue_indirect_dma source(%dma_start3A_193 : memref<10000x128xf32, #tpu.memory_space<hbm>>) target(%arg9 : memref<80x128xf32, #tpu.memory_space<vmem>>) offsets(%dma_start3A_190 : memref<80xi32, #tpu.memory_space<vmem>>) semaphore(%arg13 : memref<!tpu.dma_semaphore, #tpu.memory_space<semaphore_mem>>)
      %add3A_194 = arith.constant 2 : i32
      %add3A_195 = arith.addi %add3A_134, %add3A_194 : i32
      %mul3A_196 = arith.constant 80 : i32
      %mul3A_197 = arith.muli %add3A_195, %mul3A_196 : i32
      %dma_wait3A_198 = tpu.memref_slice %arg6[%mul3A_197] : memref<10000xi32, #tpu.memory_space<vmem>> -> memref<80xi32, #tpu.memory_space<vmem>>
      %dma_wait3A_199 = arith.constant 0 : i32
      %dma_wait3A_200 = arith.constant 0 : i32
      %dma_wait3A_201 = tpu.memref_slice %arg2[%dma_wait3A_199, %dma_wait3A_200] : memref<10000x128xf32, #tpu.memory_space<hbm>> -> memref<10000x128xf32, #tpu.memory_space<hbm>>
      tpu.wait_indirect_dma semaphore(%arg12 : memref<!tpu.dma_semaphore, #tpu.memory_space<semaphore_mem>>) src(%dma_wait3A_201 : memref<10000x128xf32, #tpu.memory_space<hbm>>) dst(%arg8 : memref<80x128xf32, #tpu.memory_space<vmem>>)
      %mul3A_202 = arith.constant 80 : i32
      %mul3A_203 = arith.muli %add3A_195, %mul3A_202 : i32
      %dma_start3A_204 = tpu.memref_slice %arg7[%mul3A_203] : memref<10000xi32, #tpu.memory_space<vmem>> -> memref<80xi32, #tpu.memory_space<vmem>>
      %dma_start3A_205 = arith.constant 0 : i32
      %dma_start3A_206 = arith.constant 0 : i32
      %dma_start3A_207 = tpu.memref_slice %arg11[%dma_start3A_205, %dma_start3A_206] : memref<10000x128xf32, #tpu.memory_space<vmem_shared>> -> memref<10000x128xf32, #tpu.memory_space<vmem_shared>>
      tpu.enqueue_indirect_dma source(%arg8 : memref<80x128xf32, #tpu.memory_space<vmem>>) target(%dma_start3A_207 : memref<10000x128xf32, #tpu.memory_space<vmem_shared>>) offsets(%dma_start3A_204 : memref<80xi32, #tpu.memory_space<vmem>>) semaphore(%arg15 : memref<!tpu.dma_semaphore, #tpu.memory_space<semaphore_mem>>) {add = true}
      %sub3A_208 = arith.constant 1 : i32
      %sub3A_209 = arith.subi %add3A_195, %sub3A_208 : i32
      %mul3A_210 = arith.constant 80 : i32
      %mul3A_211 = arith.muli %sub3A_209, %mul3A_210 : i32
      %dma_wait3A_212 = tpu.memref_slice %arg7[%mul3A_211] : memref<10000xi32, #tpu.memory_space<vmem>> -> memref<80xi32, #tpu.memory_space<vmem>>
      %dma_wait3A_213 = arith.constant 0 : i32
      %dma_wait3A_214 = arith.constant 0 : i32
      %dma_wait3A_215 = tpu.memref_slice %arg11[%dma_wait3A_213, %dma_wait3A_214] : memref<10000x128xf32, #tpu.memory_space<vmem_shared>> -> memref<10000x128xf32, #tpu.memory_space<vmem_shared>>
      tpu.wait_indirect_dma semaphore(%arg17 : memref<!tpu.dma_semaphore, #tpu.memory_space<semaphore_mem>>) src(%arg10 : memref<80x128xf32, #tpu.memory_space<vmem>>) dst(%dma_wait3A_215 : memref<10000x128xf32, #tpu.memory_space<vmem_shared>>)
      %add3A_216 = arith.constant 2 : i32
      %add3A_217 = arith.addi %add3A_195, %add3A_216 : i32
      %mul3A_218 = arith.constant 80 : i32
      %mul3A_219 = arith.muli %add3A_217, %mul3A_218 : i32
      %dma_start3A_220 = tpu.memref_slice %arg6[%mul3A_219] : memref<10000xi32, #tpu.memory_space<vmem>> -> memref<80xi32, #tpu.memory_space<vmem>>
      %dma_start3A_221 = arith.constant 0 : i32
      %dma_start3A_222 = arith.constant 0 : i32
      %dma_start3A_223 = tpu.memref_slice %arg2[%dma_start3A_221, %dma_start3A_222] : memref<10000x128xf32, #tpu.memory_space<hbm>> -> memref<10000x128xf32, #tpu.memory_space<hbm>>
      tpu.enqueue_indirect_dma source(%dma_start3A_223 : memref<10000x128xf32, #tpu.memory_space<hbm>>) target(%arg10 : memref<80x128xf32, #tpu.memory_space<vmem>>) offsets(%dma_start3A_220 : memref<80xi32, #tpu.memory_space<vmem>>) semaphore(%arg14 : memref<!tpu.dma_semaphore, #tpu.memory_space<semaphore_mem>>)
    }
    %scan3A_49 = arith.constant 40 : i32
    %dma_wait3A_50 = arith.constant 9680 : i32
    %dma_wait3A_51 = tpu.memref_slice %arg6[%dma_wait3A_50] : memref<10000xi32, #tpu.memory_space<vmem>> -> memref<80xi32, #tpu.memory_space<vmem>>
    %dma_wait3A_52 = arith.constant 0 : i32
    %dma_wait3A_53 = arith.constant 0 : i32
    %dma_wait3A_54 = tpu.memref_slice %arg2[%dma_wait3A_52, %dma_wait3A_53] : memref<10000x128xf32, #tpu.memory_space<hbm>> -> memref<10000x128xf32, #tpu.memory_space<hbm>>
    tpu.wait_indirect_dma semaphore(%arg13 : memref<!tpu.dma_semaphore, #tpu.memory_space<semaphore_mem>>) src(%dma_wait3A_54 : memref<10000x128xf32, #tpu.memory_space<hbm>>) dst(%arg9 : memref<80x128xf32, #tpu.memory_space<vmem>>)
    %dma_start3A_55 = arith.constant 9680 : i32
    %dma_start3A_56 = tpu.memref_slice %arg7[%dma_start3A_55] : memref<10000xi32, #tpu.memory_space<vmem>> -> memref<80xi32, #tpu.memory_space<vmem>>
    %dma_start3A_57 = arith.constant 0 : i32
    %dma_start3A_58 = arith.constant 0 : i32
    %dma_start3A_59 = tpu.memref_slice %arg11[%dma_start3A_57, %dma_start3A_58] : memref<10000x128xf32, #tpu.memory_space<vmem_shared>> -> memref<10000x128xf32, #tpu.memory_space<vmem_shared>>
    tpu.enqueue_indirect_dma source(%arg9 : memref<80x128xf32, #tpu.memory_space<vmem>>) target(%dma_start3A_59 : memref<10000x128xf32, #tpu.memory_space<vmem_shared>>) offsets(%dma_start3A_56 : memref<80xi32, #tpu.memory_space<vmem>>) semaphore(%arg16 : memref<!tpu.dma_semaphore, #tpu.memory_space<semaphore_mem>>) {add = true}
    %dma_wait3A_60 = arith.constant 9600 : i32
    %dma_wait3A_61 = tpu.memref_slice %arg7[%dma_wait3A_60] : memref<10000xi32, #tpu.memory_space<vmem>> -> memref<80xi32, #tpu.memory_space<vmem>>
    %dma_wait3A_62 = arith.constant 0 : i32
    %dma_wait3A_63 = arith.constant 0 : i32
    %dma_wait3A_64 = tpu.memref_slice %arg11[%dma_wait3A_62, %dma_wait3A_63] : memref<10000x128xf32, #tpu.memory_space<vmem_shared>> -> memref<10000x128xf32, #tpu.memory_space<vmem_shared>>
    tpu.wait_indirect_dma semaphore(%arg15 : memref<!tpu.dma_semaphore, #tpu.memory_space<semaphore_mem>>) src(%arg8 : memref<80x128xf32, #tpu.memory_space<vmem>>) dst(%dma_wait3A_64 : memref<10000x128xf32, #tpu.memory_space<vmem_shared>>)
    %dma_start3A_65 = arith.constant 9840 : i32
    %dma_start3A_66 = tpu.memref_slice %arg6[%dma_start3A_65] : memref<10000xi32, #tpu.memory_space<vmem>> -> memref<80xi32, #tpu.memory_space<vmem>>
    %dma_start3A_67 = arith.constant 0 : i32
    %dma_start3A_68 = arith.constant 0 : i32
    %dma_start3A_69 = tpu.memref_slice %arg2[%dma_start3A_67, %dma_start3A_68] : memref<10000x128xf32, #tpu.memory_space<hbm>> -> memref<10000x128xf32, #tpu.memory_space<hbm>>
    tpu.enqueue_indirect_dma source(%dma_start3A_69 : memref<10000x128xf32, #tpu.memory_space<hbm>>) target(%arg8 : memref<80x128xf32, #tpu.memory_space<vmem>>) offsets(%dma_start3A_66 : memref<80xi32, #tpu.memory_space<vmem>>) semaphore(%arg12 : memref<!tpu.dma_semaphore, #tpu.memory_space<semaphore_mem>>)
    %dma_wait3A_70 = arith.constant 9760 : i32
    %dma_wait3A_71 = tpu.memref_slice %arg6[%dma_wait3A_70] : memref<10000xi32, #tpu.memory_space<vmem>> -> memref<80xi32, #tpu.memory_space<vmem>>
    %dma_wait3A_72 = arith.constant 0 : i32
    %dma_wait3A_73 = arith.constant 0 : i32
    %dma_wait3A_74 = tpu.memref_slice %arg2[%dma_wait3A_72, %dma_wait3A_73] : memref<10000x128xf32, #tpu.memory_space<hbm>> -> memref<10000x128xf32, #tpu.memory_space<hbm>>
    tpu.wait_indirect_dma semaphore(%arg14 : memref<!tpu.dma_semaphore, #tpu.memory_space<semaphore_mem>>) src(%dma_wait3A_74 : memref<10000x128xf32, #tpu.memory_space<hbm>>) dst(%arg10 : memref<80x128xf32, #tpu.memory_space<vmem>>)
    %dma_start3A_75 = arith.constant 9760 : i32
    %dma_start3A_76 = tpu.memref_slice %arg7[%dma_start3A_75] : memref<10000xi32, #tpu.memory_space<vmem>> -> memref<80xi32, #tpu.memory_space<vmem>>
    %dma_start3A_77 = arith.constant 0 : i32
    %dma_start3A_78 = arith.constant 0 : i32
    %dma_start3A_79 = tpu.memref_slice %arg11[%dma_start3A_77, %dma_start3A_78] : memref<10000x128xf32, #tpu.memory_space<vmem_shared>> -> memref<10000x128xf32, #tpu.memory_space<vmem_shared>>
    tpu.enqueue_indirect_dma source(%arg10 : memref<80x128xf32, #tpu.memory_space<vmem>>) target(%dma_start3A_79 : memref<10000x128xf32, #tpu.memory_space<vmem_shared>>) offsets(%dma_start3A_76 : memref<80xi32, #tpu.memory_space<vmem>>) semaphore(%arg17 : memref<!tpu.dma_semaphore, #tpu.memory_space<semaphore_mem>>) {add = true}
    %dma_wait3A_80 = arith.constant 9680 : i32
    %dma_wait3A_81 = tpu.memref_slice %arg7[%dma_wait3A_80] : memref<10000xi32, #tpu.memory_space<vmem>> -> memref<80xi32, #tpu.memory_space<vmem>>
    %dma_wait3A_82 = arith.constant 0 : i32
    %dma_wait3A_83 = arith.constant 0 : i32
    %dma_wait3A_84 = tpu.memref_slice %arg11[%dma_wait3A_82, %dma_wait3A_83] : memref<10000x128xf32, #tpu.memory_space<vmem_shared>> -> memref<10000x128xf32, #tpu.memory_space<vmem_shared>>
    tpu.wait_indirect_dma semaphore(%arg16 : memref<!tpu.dma_semaphore, #tpu.memory_space<semaphore_mem>>) src(%arg9 : memref<80x128xf32, #tpu.memory_space<vmem>>) dst(%dma_wait3A_84 : memref<10000x128xf32, #tpu.memory_space<vmem_shared>>)
    %dma_start3A_85 = arith.constant 9920 : i32
    %dma_start3A_86 = tpu.memref_slice %arg6[%dma_start3A_85] : memref<10000xi32, #tpu.memory_space<vmem>> -> memref<80xi32, #tpu.memory_space<vmem>>
    %dma_start3A_87 = arith.constant 0 : i32
    %dma_start3A_88 = arith.constant 0 : i32
    %dma_start3A_89 = tpu.memref_slice %arg2[%dma_start3A_87, %dma_start3A_88] : memref<10000x128xf32, #tpu.memory_space<hbm>> -> memref<10000x128xf32, #tpu.memory_space<hbm>>
    tpu.enqueue_indirect_dma source(%dma_start3A_89 : memref<10000x128xf32, #tpu.memory_space<hbm>>) target(%arg9 : memref<80x128xf32, #tpu.memory_space<vmem>>) offsets(%dma_start3A_86 : memref<80xi32, #tpu.memory_space<vmem>>) semaphore(%arg13 : memref<!tpu.dma_semaphore, #tpu.memory_space<semaphore_mem>>)
    %dma_wait3A_90 = arith.constant 9840 : i32
    %dma_wait3A_91 = tpu.memref_slice %arg6[%dma_wait3A_90] : memref<10000xi32, #tpu.memory_space<vmem>> -> memref<80xi32, #tpu.memory_space<vmem>>
    %dma_wait3A_92 = arith.constant 0 : i32
    %dma_wait3A_93 = arith.constant 0 : i32
    %dma_wait3A_94 = tpu.memref_slice %arg2[%dma_wait3A_92, %dma_wait3A_93] : memref<10000x128xf32, #tpu.memory_space<hbm>> -> memref<10000x128xf32, #tpu.memory_space<hbm>>
    tpu.wait_indirect_dma semaphore(%arg12 : memref<!tpu.dma_semaphore, #tpu.memory_space<semaphore_mem>>) src(%dma_wait3A_94 : memref<10000x128xf32, #tpu.memory_space<hbm>>) dst(%arg8 : memref<80x128xf32, #tpu.memory_space<vmem>>)
    %dma_start3A_95 = arith.constant 9840 : i32
    %dma_start3A_96 = tpu.memref_slice %arg7[%dma_start3A_95] : memref<10000xi32, #tpu.memory_space<vmem>> -> memref<80xi32, #tpu.memory_space<vmem>>
    %dma_start3A_97 = arith.constant 0 : i32
    %dma_start3A_98 = arith.constant 0 : i32
    %dma_start3A_99 = tpu.memref_slice %arg11[%dma_start3A_97, %dma_start3A_98] : memref<10000x128xf32, #tpu.memory_space<vmem_shared>> -> memref<10000x128xf32, #tpu.memory_space<vmem_shared>>
    tpu.enqueue_indirect_dma source(%arg8 : memref<80x128xf32, #tpu.memory_space<vmem>>) target(%dma_start3A_99 : memref<10000x128xf32, #tpu.memory_space<vmem_shared>>) offsets(%dma_start3A_96 : memref<80xi32, #tpu.memory_space<vmem>>) semaphore(%arg15 : memref<!tpu.dma_semaphore, #tpu.memory_space<semaphore_mem>>) {add = true}
    %dma_wait3A_100 = arith.constant 9760 : i32
    %dma_wait3A_101 = tpu.memref_slice %arg7[%dma_wait3A_100] : memref<10000xi32, #tpu.memory_space<vmem>> -> memref<80xi32, #tpu.memory_space<vmem>>
    %dma_wait3A_102 = arith.constant 0 : i32
    %dma_wait3A_103 = arith.constant 0 : i32
    %dma_wait3A_104 = tpu.memref_slice %arg11[%dma_wait3A_102, %dma_wait3A_103] : memref<10000x128xf32, #tpu.memory_space<vmem_shared>> -> memref<10000x128xf32, #tpu.memory_space<vmem_shared>>
    tpu.wait_indirect_dma semaphore(%arg17 : memref<!tpu.dma_semaphore, #tpu.memory_space<semaphore_mem>>) src(%arg10 : memref<80x128xf32, #tpu.memory_space<vmem>>) dst(%dma_wait3A_104 : memref<10000x128xf32, #tpu.memory_space<vmem_shared>>)
    %dma_wait3A_105 = arith.constant 9920 : i32
    %dma_wait3A_106 = tpu.memref_slice %arg6[%dma_wait3A_105] : memref<10000xi32, #tpu.memory_space<vmem>> -> memref<80xi32, #tpu.memory_space<vmem>>
    %dma_wait3A_107 = arith.constant 0 : i32
    %dma_wait3A_108 = arith.constant 0 : i32
    %dma_wait3A_109 = tpu.memref_slice %arg2[%dma_wait3A_107, %dma_wait3A_108] : memref<10000x128xf32, #tpu.memory_space<hbm>> -> memref<10000x128xf32, #tpu.memory_space<hbm>>
    tpu.wait_indirect_dma semaphore(%arg13 : memref<!tpu.dma_semaphore, #tpu.memory_space<semaphore_mem>>) src(%dma_wait3A_109 : memref<10000x128xf32, #tpu.memory_space<hbm>>) dst(%arg9 : memref<80x128xf32, #tpu.memory_space<vmem>>)
    %dma_start3A_110 = arith.constant 9920 : i32
    %dma_start3A_111 = tpu.memref_slice %arg7[%dma_start3A_110] : memref<10000xi32, #tpu.memory_space<vmem>> -> memref<80xi32, #tpu.memory_space<vmem>>
    %dma_start3A_112 = arith.constant 0 : i32
    %dma_start3A_113 = arith.constant 0 : i32
    %dma_start3A_114 = tpu.memref_slice %arg11[%dma_start3A_112, %dma_start3A_113] : memref<10000x128xf32, #tpu.memory_space<vmem_shared>> -> memref<10000x128xf32, #tpu.memory_space<vmem_shared>>
    tpu.enqueue_indirect_dma source(%arg9 : memref<80x128xf32, #tpu.memory_space<vmem>>) target(%dma_start3A_114 : memref<10000x128xf32, #tpu.memory_space<vmem_shared>>) offsets(%dma_start3A_111 : memref<80xi32, #tpu.memory_space<vmem>>) semaphore(%arg16 : memref<!tpu.dma_semaphore, #tpu.memory_space<semaphore_mem>>) {add = true}
    %dma_wait3A_115 = arith.constant 9840 : i32
    %dma_wait3A_116 = tpu.memref_slice %arg7[%dma_wait3A_115] : memref<10000xi32, #tpu.memory_space<vmem>> -> memref<80xi32, #tpu.memory_space<vmem>>
    %dma_wait3A_117 = arith.constant 0 : i32
    %dma_wait3A_118 = arith.constant 0 : i32
    %dma_wait3A_119 = tpu.memref_slice %arg11[%dma_wait3A_117, %dma_wait3A_118] : memref<10000x128xf32, #tpu.memory_space<vmem_shared>> -> memref<10000x128xf32, #tpu.memory_space<vmem_shared>>
    tpu.wait_indirect_dma semaphore(%arg15 : memref<!tpu.dma_semaphore, #tpu.memory_space<semaphore_mem>>) src(%arg8 : memref<80x128xf32, #tpu.memory_space<vmem>>) dst(%dma_wait3A_119 : memref<10000x128xf32, #tpu.memory_space<vmem_shared>>)
    %dma_wait3A_120 = arith.constant 9920 : i32
    %dma_wait3A_121 = tpu.memref_slice %arg7[%dma_wait3A_120] : memref<10000xi32, #tpu.memory_space<vmem>> -> memref<80xi32, #tpu.memory_space<vmem>>
    %dma_wait3A_122 = arith.constant 0 : i32
    %dma_wait3A_123 = arith.constant 0 : i32
    %dma_wait3A_124 = tpu.memref_slice %arg11[%dma_wait3A_122, %dma_wait3A_123] : memref<10000x128xf32, #tpu.memory_space<vmem_shared>> -> memref<10000x128xf32, #tpu.memory_space<vmem_shared>>
    tpu.wait_indirect_dma semaphore(%arg16 : memref<!tpu.dma_semaphore, #tpu.memory_space<semaphore_mem>>) src(%arg9 : memref<80x128xf32, #tpu.memory_space<vmem>>) dst(%dma_wait3A_124 : memref<10000x128xf32, #tpu.memory_space<vmem_shared>>)
    %barrier3A_125 = arith.constant 0 : index
    tpu.barrier barrier_id(%barrier3A_125)
    "tpu.region"() ({
      %run_scoped3A = tpu.sem_alloc : memref<!tpu.dma_semaphore, #tpu.memory_space<semaphore_mem>>
      %dma_start3A_126 = arith.constant 0 : i32
      %dma_start3A_127 = tpu.memref_slice %arg5[%arg0, %mul3A_14, %dma_start3A_126] : memref<2x10000x128xf32, #tpu.memory_space<hbm>> -> memref<1x625x128xf32, #tpu.memory_space<hbm>>
      %dma_start3A_128 = tpu.memref_squeeze %dma_start3A_127 : memref<1x625x128xf32, #tpu.memory_space<hbm>> -> memref<625x128xf32, #tpu.memory_space<hbm>>
      %dma_start3A_129 = arith.constant 0 : i32
      %dma_start3A_130 = tpu.memref_slice %arg11[%mul3A_14, %dma_start3A_129] : memref<10000x128xf32, #tpu.memory_space<vmem_shared>> -> memref<625x128xf32, #tpu.memory_space<vmem_shared>>
      tpu.enqueue_dma source(%dma_start3A_130 : memref<625x128xf32, #tpu.memory_space<vmem_shared>>) target(%dma_start3A_128 : memref<625x128xf32, #tpu.memory_space<hbm>>) target_semaphore(%run_scoped3A : memref<!tpu.dma_semaphore, #tpu.memory_space<semaphore_mem>>)
      %dma_wait3A_131 = arith.constant 0 : i32
      %dma_wait3A_132 = tpu.memref_slice %arg5[%arg0, %mul3A_14, %dma_wait3A_131] : memref<2x10000x128xf32, #tpu.memory_space<hbm>> -> memref<1x625x128xf32, #tpu.memory_space<hbm>>
      %dma_wait3A_133 = tpu.memref_squeeze %dma_wait3A_132 : memref<1x625x128xf32, #tpu.memory_space<hbm>> -> memref<625x128xf32, #tpu.memory_space<hbm>>
      %dma_wait3A_134 = arith.constant 0 : i32
      %dma_wait3A_135 = tpu.memref_slice %arg11[%mul3A_14, %dma_wait3A_134] : memref<10000x128xf32, #tpu.memory_space<vmem_shared>> -> memref<625x128xf32, #tpu.memory_space<vmem_shared>>
      tpu.wait_dma2 semaphore(%run_scoped3A : memref<!tpu.dma_semaphore, #tpu.memory_space<semaphore_mem>>) src(%dma_wait3A_135 : memref<625x128xf32, #tpu.memory_space<vmem_shared>>) dst(%dma_wait3A_133 : memref<625x128xf32, #tpu.memory_space<hbm>>)
      tpu.yield
    }) : () -> ()
    return
  }
}

module attributes {stable_mosaic.version = 14 : i64} {
  func.func @body(%arg0: i32, %arg1: memref<1000x128xf32, #tpu.memory_space<vmem>>, %arg2: memref<128x128xf32, #tpu.memory_space<vmem>>, %arg3: memref<1x128xf32, #tpu.memory_space<vmem>>, %arg4: memref<1x32x1000xf32, #tpu.memory_space<vmem>>, %arg5: memref<1000x128xf32, #tpu.memory_space<vmem>>, %arg6: memref<1000x1xf32, #tpu.memory_space<vmem>>) attributes {dimension_semantics = [#tpu.dimension_semantics<arbitrary>], iteration_bounds = array<i64: 10>, scalar_prefetch = 0 : i64, scratch_operands = 0 : i64, tpu.core_type = #tpu.core_type<tc>, window_params = [{transform_indices = @transform_0, window_bounds = array<i64: 1000, 128>}, {pipeline_mode = #tpu.pipeline_mode<synchronous>, transform_indices = @transform_1, window_bounds = array<i64: 128, 128>}, {pipeline_mode = #tpu.pipeline_mode<synchronous>, transform_indices = @transform_2, window_bounds = array<i64: 1, 128>}, {transform_indices = @transform_3, window_bounds = array<i64: 1, 32, 1000>}, {transform_indices = @transform_4, window_bounds = array<i64: 1000, 128>}, {transform_indices = @transform_5, window_bounds = array<i64: 1000, 1>}]} {
    %get3A = arith.constant 0 : index
    %get3A_0 = arith.constant 0 : index
    %get3A_1 = arith.constant 0 : index
    %get3A_2 = vector.load %arg4[%get3A, %get3A_0, %get3A_1] : memref<1x32x1000xf32, #tpu.memory_space<vmem>>, vector<1x32x1000xf32>
    %get3A_3 = vector.shape_cast %get3A_2 : vector<1x32x1000xf32> to vector<32x1000xf32>
    %reduce_sum3A = arith.constant dense<0.000000e+00> : vector<1000xf32>
    %reduce_sum3A_4 = vector.multi_reduction <add>, %get3A_3, %reduce_sum3A [0] : vector<32x1000xf32> to vector<1000xf32>
    %add3A = arith.constant 1.000000e+00 : f32
    %add3A_5 = vector.broadcast %add3A : f32 to vector<1000xf32>
    %add3A_6 = arith.addf %reduce_sum3A_4, %add3A_5 : vector<1000xf32>
    %rsqrt3A = math.rsqrt %add3A_6 : vector<1000xf32>
    %get3A_7 = arith.constant 0 : index
    %get3A_8 = arith.constant 0 : index
    %get3A_9 = vector.load %arg1[%get3A_7, %get3A_8] : memref<1000x128xf32, #tpu.memory_space<vmem>>, vector<1000x128xf32>
    %get3A_10 = arith.constant 0 : index
    %get3A_11 = arith.constant 0 : index
    %get3A_12 = vector.load %arg2[%get3A_10, %get3A_11] : memref<128x128xf32, #tpu.memory_space<vmem>>, vector<128x128xf32>
    %dot_general3A = arith.constant dense<0.000000e+00> : vector<1000x128xf32>
    %dot_general3A_13 = tpu.matmul %get3A_9, %get3A_12, %dot_general3A {dimension_numbers = #tpu.dot_dimension_numbers<[1], [0], [0], [1], [0, 0, 1, 1], [], []>, transpose_lhs_hint = false} : vector<1000x128xf32>, vector<128x128xf32>, vector<1000x128xf32> -> vector<1000x128xf32>
    %get3A_14 = arith.constant 0 : index
    %get3A_15 = arith.constant 0 : index
    %get3A_16 = vector.load %arg3[%get3A_14, %get3A_15] : memref<1x128xf32, #tpu.memory_space<vmem>>, vector<1x128xf32>
    %add3A_17 = vector.broadcast %get3A_16 : vector<1x128xf32> to vector<1000x128xf32>
    %add3A_18 = arith.addf %dot_general3A_13, %add3A_17 : vector<1000x128xf32>
    %broadcast_in_dim3A = vector.shape_cast %rsqrt3A : vector<1000xf32> to vector<1000x1xf32>
    %mul3A = vector.broadcast %broadcast_in_dim3A : vector<1000x1xf32> to vector<1000x128xf32>
    %mul3A_19 = arith.mulf %add3A_18, %mul3A : vector<1000x128xf32>
    %swap3A = arith.constant 0 : index
    %swap3A_20 = arith.constant 0 : index
    %swap3A_21 = vector.load %arg5[%swap3A, %swap3A_20] : memref<1000x128xf32, #tpu.memory_space<vmem>>, vector<1000x128xf32>
    tpu.vector_store %arg5[%swap3A, %swap3A_20], %mul3A_19 {strides = array<i32>} : memref<1000x128xf32, #tpu.memory_space<vmem>>, vector<1000x128xf32>,
    %broadcast_in_dim3A_22 = vector.shape_cast %rsqrt3A : vector<1000xf32> to vector<1000x1xf32>
    %swap3A_23 = arith.constant 0 : index
    %swap3A_24 = arith.constant 0 : index
    %swap3A_25 = vector.load %arg6[%swap3A_23, %swap3A_24] : memref<1000x1xf32, #tpu.memory_space<vmem>>, vector<1000x1xf32>
    tpu.vector_store %arg6[%swap3A_23, %swap3A_24], %broadcast_in_dim3A_22 {strides = array<i32>} : memref<1000x1xf32, #tpu.memory_space<vmem>>, vector<1000x1xf32>,
    return
  }
  func.func @transform_0(%arg0: i32) -> (i32, i32) {
    %c0_i32 = arith.constant 0 : i32
    %c0_i32_0 = arith.constant 0 : i32
    return %arg0, %c0_i32 : i32, i32
  }
  func.func @transform_1(%arg0: i32) -> (i32, i32) {
    %c0_i32 = arith.constant 0 : i32
    %c0_i32_0 = arith.constant 0 : i32
    %c0_i32_1 = arith.constant 0 : i32
    return %c0_i32, %c0_i32_0 : i32, i32
  }
  func.func @transform_2(%arg0: i32) -> (i32, i32) {
    %c0_i32 = arith.constant 0 : i32
    %c0_i32_0 = arith.constant 0 : i32
    %c0_i32_1 = arith.constant 0 : i32
    return %c0_i32, %c0_i32_0 : i32, i32
  }
  func.func @transform_3(%arg0: i32) -> (i32, i32, i32) {
    %c0_i32 = arith.constant 0 : i32
    %c0_i32_0 = arith.constant 0 : i32
    %c0_i32_1 = arith.constant 0 : i32
    return %arg0, %c0_i32, %c0_i32_0 : i32, i32, i32
  }
  func.func @transform_4(%arg0: i32) -> (i32, i32) {
    %c0_i32 = arith.constant 0 : i32
    %c0_i32_0 = arith.constant 0 : i32
    return %arg0, %c0_i32 : i32, i32
  }
  func.func @transform_5(%arg0: i32) -> (i32, i32) {
    %c0_i32 = arith.constant 0 : i32
    %c0_i32_0 = arith.constant 0 : i32
    return %arg0, %c0_i32 : i32, i32
  }
}

module attributes {stable_mosaic.version = 14 : i64} {
  func.func @body(%arg0: i32, %arg1: memref<2x1000x128xf32, #tpu.memory_space<vmem>>, %arg2: memref<1000x1xf32, #tpu.memory_space<vmem>>, %arg3: memref<1000x128xf32, #tpu.memory_space<vmem>>) attributes {dimension_semantics = [#tpu.dimension_semantics<arbitrary>], iteration_bounds = array<i64: 10>, scalar_prefetch = 0 : i64, scratch_operands = 0 : i64, tpu.core_type = #tpu.core_type<tc>, window_params = [{transform_indices = @transform_0, window_bounds = array<i64: 2, 1000, 128>}, {transform_indices = @transform_1, window_bounds = array<i64: 1000, 1>}, {transform_indices = @transform_2, window_bounds = array<i64: 1000, 128>}]} {
    %get3A = arith.constant 0 : index
    %get3A_0 = arith.constant 0 : index
    %get3A_1 = vector.load %arg2[%get3A, %get3A_0] : memref<1000x1xf32, #tpu.memory_space<vmem>>, vector<1000x1xf32>
    %get3A_2 = arith.constant 0 : index
    %get3A_3 = arith.constant 0 : index
    %get3A_4 = arith.constant 0 : index
    %get3A_5 = vector.load %arg1[%get3A_2, %get3A_3, %get3A_4] : memref<2x1000x128xf32, #tpu.memory_space<vmem>>, vector<1x1000x128xf32>
    %get3A_6 = vector.shape_cast %get3A_5 : vector<1x1000x128xf32> to vector<1000x128xf32>
    %get3A_7 = arith.constant 1 : index
    %get3A_8 = arith.constant 0 : index
    %get3A_9 = arith.constant 0 : index
    %get3A_10 = vector.load %arg1[%get3A_7, %get3A_8, %get3A_9] : memref<2x1000x128xf32, #tpu.memory_space<vmem>>, vector<1x1000x128xf32>
    %get3A_11 = vector.shape_cast %get3A_10 : vector<1x1000x128xf32> to vector<1000x128xf32>
    %add3A = arith.addf %get3A_6, %get3A_11 : vector<1000x128xf32>
    %mul3A = vector.broadcast %get3A_1 : vector<1000x1xf32> to vector<1000x128xf32>
    %mul3A_12 = arith.mulf %mul3A, %add3A : vector<1000x128xf32>
    %reduce_max3A = arith.constant dense<0xFF800000> : vector<1000xf32>
    %reduce_max3A_13 = vector.multi_reduction <maximumf>, %mul3A_12, %reduce_max3A [1] : vector<1000x128xf32> to vector<1000xf32>
    %broadcast_in_dim3A = vector.shape_cast %reduce_max3A_13 : vector<1000xf32> to vector<1000x1xf32>
    %sub3A = vector.broadcast %broadcast_in_dim3A : vector<1000x1xf32> to vector<1000x128xf32>
    %sub3A_14 = arith.subf %mul3A_12, %sub3A : vector<1000x128xf32>
    %exp3A = math.exp %sub3A_14 : vector<1000x128xf32>
    %reduce_sum3A = arith.constant dense<0.000000e+00> : vector<1000xf32>
    %reduce_sum3A_15 = vector.multi_reduction <add>, %exp3A, %reduce_sum3A [1] : vector<1000x128xf32> to vector<1000xf32>
    %broadcast_in_dim3A_16 = vector.shape_cast %reduce_sum3A_15 : vector<1000xf32> to vector<1000x1xf32>
    %sub3A_17 = vector.broadcast %broadcast_in_dim3A : vector<1000x1xf32> to vector<1000x128xf32>
    %sub3A_18 = arith.subf %mul3A_12, %sub3A_17 : vector<1000x128xf32>
    %log3A = math.log %broadcast_in_dim3A_16 : vector<1000x1xf32>
    %sub3A_19 = vector.broadcast %log3A : vector<1000x1xf32> to vector<1000x128xf32>
    %sub3A_20 = arith.subf %sub3A_18, %sub3A_19 : vector<1000x128xf32>
    %swap3A = arith.constant 0 : index
    %swap3A_21 = arith.constant 0 : index
    %swap3A_22 = vector.load %arg3[%swap3A, %swap3A_21] : memref<1000x128xf32, #tpu.memory_space<vmem>>, vector<1000x128xf32>
    tpu.vector_store %arg3[%swap3A, %swap3A_21], %sub3A_20 {strides = array<i32>} : memref<1000x128xf32, #tpu.memory_space<vmem>>, vector<1000x128xf32>,
    return
  }
  func.func @transform_0(%arg0: i32) -> (i32, i32, i32) {
    %c0_i32 = arith.constant 0 : i32
    %c0_i32_0 = arith.constant 0 : i32
    %c0_i32_1 = arith.constant 0 : i32
    return %c0_i32, %arg0, %c0_i32_0 : i32, i32, i32
  }
  func.func @transform_1(%arg0: i32) -> (i32, i32) {
    %c0_i32 = arith.constant 0 : i32
    %c0_i32_0 = arith.constant 0 : i32
    return %arg0, %c0_i32 : i32, i32
  }
  func.func @transform_2(%arg0: i32) -> (i32, i32) {
    %c0_i32 = arith.constant 0 : i32
    %c0_i32_0 = arith.constant 0 : i32
    return %arg0, %c0_i32 : i32, i32
  }
}

</mosaic_0001>

<sc_bundles>
// kernel: kernel.6.cloned.1.call-start
scs
__scs_entry_jumppad:
0x0: {  	(pc) =	sbr.rel $0x88, $3  }
0x1: {  	(tag) =	ssettag $0x0;
	lr =	simm.s32 $0x1  }
0x2: {  	[smem:$0x3F9D] =	sst lr;
	_ =	strace $0xD0000000  }
0x3: {  	_ = 	snop  }
0x4: {  	_ = 	snop  }
0x5: {  	_ = 	snop  }
0x6: {  	_ = 	snop  }
0x7: {  	_ = 	snop  }
__scs_overlays_trampoline_lowered:
0x8: {  	[smem:$0x3FAC] =	sst s0  }
0x9: {  	[smem:$0x3FAD] =	sst s1  }
0xa: {  	[smem:$0x3FAE] =	sst s2  }
0xb: {  	[smem:$0x3FAF] =	sst s3  }
0xc: {  	[smem:$0x3FB0] =	sst s4  }
0xd: {  	[smem:$0x3FB1] =	sst s5  }
0xe: {  	[smem:$0x3FB2] =	sst s6  }
0xf: {  	[smem:$0x3FB3] =	sst s7  }
0x10: {  	[smem:$0x3FB4] =	sst s8  }
0x11: {  	[smem:$0x3FB5] =	sst s9;
	s0 =	simm.s32 @!p0 $0x0  }
0x12: {  	s1 =	sld [smem:$0x3F9B];
	s0 =	simm.s32 @p0 $0x1  }
0x13: {  	[smem:$0x3FB6] =	sst s0;
	s0 =	simm.s32 @!p1 $0x0  }
0x14: {  	s2 =	sld [smem:$0x3F9A];
	s0 =	simm.s32 @p1 $0x1  }
0x15: {  	[smem:$0x3FB7] =	sst s0;
	s0 =	simm.s32 @!p2 $0x0  }
0x16: {  	s3 =	sld [smem:$0x3FDB];
	s0 =	simm.s32 @p2 $0x1  }
0x17: {  	s4 =	simm.s32 $0x1BF5;
	[smem:$0x3FB9] =	sst s0  }
0x18: {  	s0 =	sld [smem:$0x3F9C];
	_ =	swait.ge [sflag:s4], $0x0  }
0x19: {  	s7 =	sld [smem:$0x3F9D]  }
0x1a: {  	s8 =	sadd.s32 $0xFFFFE003, lr  }
0x1b: {  	s9 =	sadd.s32 $0xFFFFFEF7, lr;
	s5 =	simm.s32 $0xFFFFFFFF;
	p2 =	slt.u32 s8, $0xFFFFF086  }
0x1c: {  	p1 =	slt.u32 s9, $0xF7A;
	s5 =	simm.s32 @!p2 $0x0  }
0x1d: {  	s5 =	simm.s32 @p1 $0x1;
	p0 =	seq.s32 s7, s2  }
0x1e: {  	s7 =	smul.u32 @!p0 $0xF7A, s2;
	p2 =	seq.s32 @!p0 s5, $0x0  }
0x1f: {  	s9 =	smul.u32 $0xF7A, s1;
	s8 =	simm.s32 @!p0 $0x1BF5;
	p2 =	por !p2, p0  }
0x20: {  	[sflag:s8] =	ssyncset.s32 @!p0 $0xFFFFF086;
	s6 =	sadd.s32 @!p0 s3, s7;
	s7 =	simm.s32 @!p0 $0x108  }
0x21: {  	s3 =	sadd.s32 s3, s9;
	s6 =	sadd.s32 @!p0 $0x88, s6;
	s7 =	simm.s32 @p2 $0x1082  }
0x22: {  	[simem:s7], [sflag:s8] =	dma.local @!p0 [hbm:s6], $0xF7A  }
0x23: {  	s9 =	sor.u32 $0xD0000000, s2;
	s6 =	simm.s32 $0x108;
	_ =	swait.ge @!p0 [sflag:s8], $0x0  }
0x24: {  	s3 =	sadd.s32 $0x88, s3;
	s6 =	simm.s32 @!p1 $0x1082;
	[sflag:s4] =	ssyncset.s32 $0xFFFFF086  }
0x25: {  	[simem:s6], [sflag:s4] =	dma.local [hbm:s3], $0xF7A  }
0x26: {  	[smem:$0x3F9D] =	sst s1;
	(tag) =	ssettag s2;
	_ =	strace s9  }
0x27: {  	s1 =	sld [smem:$0x3FAD]  }
0x28: {  	s2 =	sld [smem:$0x3FAE]  }
0x29: {  	s4 =	sld [smem:$0x3FB0]  }
0x2a: {  	p0 =	seq.s32 s5, $0x0;
	s5 =	sld [smem:$0x3FB1]  }
0x2b: {  	s6 =	sld [smem:$0x3FB2]  }
0x2c: {  	s7 =	sld [smem:$0x3FB3]  }
0x2d: {  	s3 =	simm.s32 $0x108;
	s8 =	sld [smem:$0x3FB4]  }
0x2e: {  	s3 =	simm.s32 @!p0 $0x1082;
	s9 =	sld [smem:$0x3FB5]  }
0x2f: {  	lr =	sadd.s32 s0, s3;
	s0 =	sld [smem:$0x3FAC]  }
0x30: {  	s3 =	sld [smem:$0x3FAF]  }
0x31: {  	[smem:$0x3FB8] =	sst s10  }
0x32: {  	s10 =	sld [smem:$0x3FB6];
	_ =	sdelay $0x3  }
0x33: {  	p0 =	seq.s32 s10, $0x1;
	s10 =	sld [smem:$0x3FB8];
	_ =	sdelay $0x3  }
0x34: {  	[smem:$0x3FB8] =	sst s10  }
0x35: {  	s10 =	sld [smem:$0x3FB7];
	_ =	sdelay $0x3  }
0x36: {  	p1 =	seq.s32 s10, $0x1;
	s10 =	sld [smem:$0x3FB8];
	_ =	sdelay $0x3  }
0x37: {  	[smem:$0x3FB8] =	sst s10  }
0x38: {  	s10 =	sld [smem:$0x3FB9]  }
0x39: {  	_ = 	snop;
	(pc) =	sbr.ind lr, $3  }
0x3a: {  	_ = 	snop  }
0x3b: {  	_ = 	snop  }
0x3c: {  	p2 =	seq.s32 s10, $0x1;
	s10 =	sld [smem:$0x3FB8]  }
0x3d: {  	_ =	shalt  }
0x3e: {  	_ =	shalt  }
0x3f: {  	_ =	shalt  }
0x40: {  	_ =	shalt  }
0x41: {  	_ =	shalt  }
0x42: {  	_ =	shalt  }
0x43: {  	_ =	shalt  }
0x44: {  	_ =	shalt  }
0x45: {  	_ =	shalt  }
0x46: {  	_ =	shalt  }
0x47: {  	_ =	shalt  }
0x48: {  	_ =	shalt  }
0x49: {  	_ =	shalt  }
0x4a: {  	_ =	shalt  }
0x4b: {  	_ =	shalt  }
0x4c: {  	_ =	shalt  }
0x4d: {  	_ =	shalt  }
0x4e: {  	_ =	shalt  }
0x4f: {  	_ =	shalt  }
0x50: {  	_ =	shalt  }
0x51: {  	_ =	shalt  }
0x52: {  	_ =	shalt  }
0x53: {  	_ =	shalt  }
0x54: {  	_ =	shalt  }
0x55: {  	_ =	shalt  }
0x56: {  	_ =	shalt  }
0x57: {  	_ =	shalt  }
0x58: {  	_ =	shalt  }
0x59: {  	_ =	shalt  }
0x5a: {  	_ =	shalt  }
0x5b: {  	_ =	shalt  }
0x5c: {  	_ =	shalt  }
0x5d: {  	_ =	shalt  }
0x5e: {  	_ =	shalt  }
0x5f: {  	_ =	shalt  }
0x60: {  	_ =	shalt  }
0x61: {  	_ =	shalt  }
0x62: {  	_ =	shalt  }
0x63: {  	_ =	shalt  }
0x64: {  	_ =	shalt  }
0x65: {  	_ =	shalt  }
0x66: {  	_ =	shalt  }
0x67: {  	_ =	shalt  }
0x68: {  	_ =	shalt  }
0x69: {  	_ =	shalt  }
0x6a: {  	_ =	shalt  }
0x6b: {  	_ =	shalt  }
0x6c: {  	_ =	shalt  }
0x6d: {  	_ =	shalt  }
0x6e: {  	_ =	shalt  }
0x6f: {  	_ =	shalt  }
0x70: {  	_ =	shalt  }
0x71: {  	_ =	shalt  }
0x72: {  	_ =	shalt  }
0x73: {  	_ =	shalt  }
0x74: {  	_ =	shalt  }
0x75: {  	_ =	shalt  }
0x76: {  	_ =	shalt  }
0x77: {  	_ =	shalt  }
0x78: {  	_ =	shalt  }
0x79: {  	_ =	shalt  }
0x7a: {  	_ =	shalt  }
0x7b: {  	_ =	shalt  }
0x7c: {  	_ =	shalt  }
0x7d: {  	_ =	shalt  }
0x7e: {  	_ =	shalt  }
0x7f: {  	_ =	shalt  }
0x80: {  	_ =	shalt  }
0x81: {  	_ =	shalt  }
0x82: {  	_ =	shalt  }
0x83: {  	_ =	shalt  }
0x84: {  	_ =	shalt  }
0x85: {  	_ =	shalt  }
0x86: {  	_ =	shalt  }
0x87: {  	_ =	shalt  }
.Lfunc_end0:
.L_simem_size_0:
called_computation_lowered:
.L_overlay_start_0:
0x88: {  	s2 =	sld [smem:$0x3FD9]  }
0x89: {  	s3 =	sld [smem:$0x3FFE];
	_ =	sdelay $0x1  }
0x8a: {  	s1 =	srdreg.scid  }
0x8b: {  	s0 =	sand.u32 $0x1, s1  }
0x8c: {  	s17 =	sshll.u32 s0, $0xA;
	s2 =	sadd.s32 s3, s2  }
0x8d: {  	s2 =	sadd.s32 s2, s17  }
0x8e: {  	[smem:$0x3FC4] =	sst s2  }
0x8f: {  	_ = 	snop  }
0x90: {  	s2 =	sld [smem:$0x3FD0];
	(tm) =	ssettm $0x1  }
0x91: {  	s18 =	sld [smem:$0x3FFB];
	_ =	sdelay $0x3  }
0x92: {  	_ =	strace s18  }
0x93: {  	s3 =	sld [smem:$0x3FFC];
	_ =	sdelay $0x3  }
0x94: {  	_ =	strace s3  }
0x95: {  	s3 =	sld [smem:$0x3FFD];
	_ =	sdelay $0x3  }
0x96: {  	_ =	strace s3  }
0x97: {  	_ =	strace $0x8FFFFFFF  }
0x98: {  	s19 =	sld [smem:$0x3FDB];
	_ =	sdelay $0x1  }
0x99: {  	s4 =	simm.s32 $_scs_section_size  }
0x9a: {  	s5 =	simm.s32 $_size__tile_overlayer_lowered;
	s6 =	simm.s32 $_tile_overlayer_lowered  }
0x9b: {  	s22 =	simm.s32 $0x1BFF;
	s21 =	sshll.u32 s6, $0x1;
	s3 =	sadd.s32 s4, s19  }
0x9c: {  	s7 =	simm.s32 $0x0;
	s20 =	sshll.u32 s5, $0x1;
	s5 =	sadd.s32 s21, s3  }
0x9d: {  	[timem:s7], [sflag:s22] =	dma.local [hbm:s5], s20  }
0x9e: {  	_ =	swait.ge [sflag:s22], s20  }
0x9f: {  	s4 =	ssub.s32 $0x0, s20;
	[sflag:s22] =	ssyncset.done $0x0  }
0xa0: {  	[sflag:s22] =	ssyncadd.s32 s4;
	_ =	sdelay $0x1  }
0xa1: {  	s23 =	simm.s32 $0x1B8B  }
0xa2: {  	_ =	swait.ge [sflag:s23], $0x1  }
0xa3: {  	[sflag:s23] =	ssyncset.done $0x0  }
0xa4: {  	s25 =	simm.s32 $0x1B8E;
	s24 =	sld [smem:$0x3FFE];
	[sflag:s23] =	ssyncadd.s32 $0xFFFFFFFF  }
0xa5: {  	s26 =	simm.s32 $execute0_lowered;
	[smem:$0x3FD2] =	sst s25  }
0xa6: {  	s5 =	sshll.u32 s26, $0x1;
	_ =	strace $0x80000046;
	[dreg:$0x1] =	wrdreg $0xFFFFFFFF  }
0xa7: {  	s28 =	simm.s32 $_size_execute0_lowered;
	s3 =	sadd.s32 s3, s5;
	[dreg:$0x0] =	wrdreg $0x0  }
0xa8: {  	s5 =	sshll.u32 s28, $0x1;
	[dreg:$0x2] =	wrdreg s3  }
0xa9: {  	[dreg:$0x3] =	wrdreg s5  }
0xaa: {  	[dreg:$0x4] =	wrdreg $0xC0  }
0xab: {  	_ =	task [dreg:s7], $0x5FFFF  }
0xac: {  	[dreg:$0x1] =	wrdreg $0xFFFFFFFF  }
0xad: {  	[dreg:$0x0] =	wrdreg $0x60  }
0xae: {  	[dreg:$0x2] =	wrdreg s24  }
0xaf: {  	[dreg:$0x3] =	wrdreg s2  }
0xb0: {  	[dreg:$0x4] =	wrdreg $0x9  }
0xb1: {  	_ =	task.clear_ibuf [dreg:s7], $0x5FFFF;
	_ =	strace $0x90000046  }
0xb2: {  	s29 =	simm.s32 $0x9;
	_ =	strace $0x80000048  }
0xb3: {  	_ =	swait.ge [sflag:s29], $0x1  }
0xb4: {  	[sflag:s29] =	ssyncadd.s32 $0xFFFFFFFF  }
0xb5: {  	_ =	strace $0x90000048  }
0xb6: {  	_ =	sfence  }
0xb7: {  	s30 =	sld [smem:$0x0];
	_ =	sdelay $0x2  }
0xb8: {  	s31 =	sshll.u32 s1, $0xD;
	s1 =	sshrl.u32 s1, $0x2  }
0xb9: {  	s3 =	sand.u32 $0x4000, s31;
	s1 =	sadd.s32 s1, s30  }
0xba: {  	s0 =	sor.u32 s3, s0;
	s1 =	sshll.u32 s1, $0x11  }
0xbb: {  	s0 =	sor.u32 s1, s0  }
0xbc: {  	s0 =	sadd.s32 $0x8F2B, s0  }
0xbd: {  	[sflag:s0] =	ssyncadd.remote.s32 $0x1  }
0xbe: {  	_ =	sfence.sel $0xFFFF  }
0xbf: {  	[dreg:$0x0] =	wrdreg $0xFFFFFFFF;
	(pc) =	sbr.abs _section_cstart, $3  }
0xc0: {  	[dreg:$0x1] =	wrdreg $0xFFFFFFFF  }
0xc1: {  	_ =	task.clear_ibuf [dreg:s7], $0x2FFFF;
	_ =	strace $0x9FFFFFFF  }
0xc2: {  	(tm) =	ssettm $0x7FFFFFFF  }
0xc3: {  	_ =	shalt  }
tec
execute0_lowered:
.L_overlay_start_1:
0x0: {  	(tag) =	ssettag $0x1  }
0x1: {  	s4 =	rddreg [dreg:$0x0]  }
0x2: {  	s0 =	srdreg.scid;
	s5 =	rddreg [dreg:$0x1];
	s2 =	simm.s32 $0x0  }
0x3: {  	s15 =	simm.s32 $0x1;
	s16 =	simm.s32 $0x2710;
	s17 =	simm.s32 $0x2AF8  }
0x4: {  	s18 =	simm.s32 $0x2EE0;
	s19 =	simm.s32 $0x32C8;
	s20 =	simm.s32 $0x36B0  }
0x5: {  	s21 =	simm.s32 $0x3A98;
	s22 =	simm.s32 $0x3E80;
	s3 =	sand.u32 $0x1, s0  }
0x6: {  	s23 =	simm.s32 $0x4268;
	s0 =	stileid.u32;
	s1 =	sshll.u32 s3, $0x4  }
0x7: {  	s24 =	simm.s32 $0x4650;
	s25 =	simm.s32 $0x4A38;
	s6 =	sor.u32 s0, s1  }
0x8: {  	s26 =	simm.s32 $0x0;
	[smem:$0x7FF] =	sst s2;
	s7 =	smul.u32 $0x2710, s6  }
0x9: {  	s3 =	ssub.s32 $0x2, s3;
	s1 =	rddreg [dreg:$0x2];
	s6 =	smul.u32 $0x3E8, s6  }
0xa: {  	_ =	strace $0x80000047;
	s8 =	sshrl.u32 s3, $0x1;
	s7 =	sshrl.u32 s7, $0x3  }
0xb: {  	s8 =	ssub.s32 s3, s8;
	s31 =	sshrl.u32 s6, $0x3;
	s30 =	sadd.s32 s4, s7  }
0xc: {  	s4 =	sadd.s32 s5, s31;
	s5 =	smax.u32 s8, $0x1;
	s3 =	sadd.s32 $0xB640, s30  }
0xd: {  	s6 =	sadd.s32 $0xFA0, s4;
	s7 =	sadd.s32 $0x1F40, s4;
	s8 =	sadd.s32 $0x2EE0, s4  }
0xe: {  	s9 =	sadd.s32 $0x3E80, s4;
	s10 =	sadd.s32 $0x4E20, s4;
	s11 =	sadd.s32 $0x5DC0, s4  }
0xf: {  	v0 =	vimm.f32 $0.0e+00;
	v1 =	vimm.f32 $1.000000000e+00;
	s12 =	sadd.s32 $0x6D60, s4;
	s13 =	sadd.s32 $0x7D00, s4;
	s14 =	sadd.s32 $0x8CA0, s4  }
.LBB2_1:
0x10: {  	[tilespmem:s2], [sflag:$0x1] =	stream.linear.gather [hbm4b:s3+s2], $0x2710, $0x38;
	[tilespmem:$0x4E20] =	vst v63  }
0x11: {  	_ =	swait.ge [sflag:s15], $0x2710  }
0x12: {  	[sflag:s15] =	ssyncset.done $0x0  }
0x13: {  	s28 =	simm.s32 $0x2750;
	[sflag:s15] =	ssyncadd.s32 $0xFFFFD8F0  }
0x14: {  	[tilespmem:s28+$0xFFFFFFC0] =	vst v0  }
0x15: {  	[tilespmem:s28+$0x30] =	vst v0  }
0x16: {  	[tilespmem:s28+$0x20] =	vst v0  }
0x17: {  	[tilespmem:s28+$0x10] =	vst v0  }
0x18: {  	[tilespmem:s28+$0x0] =	vst v0  }
0x19: {  	[tilespmem:s28+$0xFFFFFFF0] =	vst v0  }
0x1a: {  	s29 =	simm.s32 $0x0;
	[tilespmem:s28+$0xFFFFFFE0] =	vst v0  }
.LBB2_2:
0x1b: {  	s29 =	sadd.s32 $0x8, s29;
	[tilespmem:s28+$0xFFFFFFD0] =	vst v0;
	s28 =	sadd.s32 $0x80, s28  }
0x1c: {  	[tilespmem:s28+$0xFFFFFFC0] =	vst v0;
	p0 =	slt.u32 s29, $0x268  }
0x1d: {  	[tilespmem:s28+$0x30] =	vst v0  }
.Ltmp0:
0x1e: {  	[tilespmem:s28+$0x20] =	vst v0;
	(pc) =	sbr.rel @p0 .LBB2_2-.Ltmp0, $4  }
0x1f: {  	[tilespmem:s28+$0x10] =	vst v0  }
0x20: {  	[tilespmem:s28+$0x0] =	vst v0  }
0x21: {  	[tilespmem:s28+$0xFFFFFFF0] =	vst v0  }
0x22: {  	[tilespmem:s28+$0xFFFFFFE0] =	vst v0  }
0x23: {  	[tilespmem:s28+$0xFFFFFFD0] =	vst v0  }
0x24: {  	s28 =	simm.s32 $0xFFFFFFF8;
	s29 =	simm.s32 $0x40;
	[tilespmem:$0x4E10] =	vst v0  }
.LBB2_4:
0x25: {  	v2 =	vld [tilespmem:s29+$0xFFFFFFC0];
	_ =	sdelay $0x7  }
0x26: {  	[tilespmem:v2+s16+$0x0] =	vst.idx.add.f32.msk $0xffff, v1  }
0x27: {  	v2 =	vld [tilespmem:s29+$0xFFFFFFD0];
	_ =	sdelay $0x7  }
0x28: {  	[tilespmem:v2+s16+$0x0] =	vst.idx.add.f32.msk $0xffff, v1  }
0x29: {  	v2 =	vld [tilespmem:s29+$0xFFFFFFE0];
	_ =	sdelay $0x7  }
0x2a: {  	[tilespmem:v2+s16+$0x0] =	vst.idx.add.f32.msk $0xffff, v1  }
0x2b: {  	v2 =	vld [tilespmem:s29+$0xFFFFFFF0];
	_ =	sdelay $0x7  }
0x2c: {  	[tilespmem:v2+s16+$0x0] =	vst.idx.add.f32.msk $0xffff, v1  }
0x2d: {  	v2 =	vld [tilespmem:s29+$0x0];
	_ =	sdelay $0x7  }
0x2e: {  	[tilespmem:v2+s16+$0x0] =	vst.idx.add.f32.msk $0xffff, v1  }
0x2f: {  	v2 =	vld [tilespmem:s29+$0x10];
	_ =	sdelay $0x7  }
0x30: {  	[tilespmem:v2+s16+$0x0] =	vst.idx.add.f32.msk $0xffff, v1  }
0x31: {  	v2 =	vld [tilespmem:s29+$0x20];
	_ =	sdelay $0x7  }
0x32: {  	[tilespmem:v2+s16+$0x0] =	vst.idx.add.f32.msk $0xffff, v1  }
0x33: {  	v2 =	vld [tilespmem:s29+$0x30];
	_ =	sdelay $0x1  }
0x34: {  	s28 =	sadd.s32 $0x8, s28  }
0x35: {  	p0 =	slt.u32 s28, $0x268  }
.Ltmp1:
0x36: {  	_ = 	snop;
	(pc) =	sbr.rel @p0 .LBB2_4-.Ltmp1, $2  }
0x37: {  	_ =	sdelay $0x2  }
0x38: {  	s29 =	sadd.s32 $0x80, s29;
	[tilespmem:v2+s16+$0x0] =	vst.idx.add.f32.msk $0xffff, v1  }
0x39: {  	v2 =	vld [tilespmem:$0x2700];
	_ =	sdelay $0x7  }
0x3a: {  	[tilespmem:v2+s16+$0x0] =	vst.idx.add.f32.msk $0xffff, v1  }
0x3b: {  	[hbm4b:s4+s2] =	stream.linear.scatter [tilespmem:s16], [sflag:$0x1], $0x3E8, $0x38;
	[tilespmem:$0x4E20] =	vst v63  }
0x3c: {  	_ =	swait.ge [sflag:s15], $0x3E8  }
0x3d: {  	[sflag:s15] =	ssyncset.done $0x0  }
0x3e: {  	[sflag:s15] =	ssyncadd.s32 $0xFFFFFC18  }
0x3f: {  	[hbm4b:s6+s2] =	stream.linear.scatter [tilespmem:s17], [sflag:$0x1], $0x3E8, $0x38;
	[tilespmem:$0x4E20] =	vst v63  }
0x40: {  	_ =	swait.ge [sflag:s15], $0x3E8  }
0x41: {  	[sflag:s15] =	ssyncset.done $0x0  }
0x42: {  	[sflag:s15] =	ssyncadd.s32 $0xFFFFFC18  }
0x43: {  	[hbm4b:s7+s2] =	stream.linear.scatter [tilespmem:s18], [sflag:$0x1], $0x3E8, $0x38;
	[tilespmem:$0x4E20] =	vst v63  }
0x44: {  	_ =	swait.ge [sflag:s15], $0x3E8  }
0x45: {  	[sflag:s15] =	ssyncset.done $0x0  }
0x46: {  	[sflag:s15] =	ssyncadd.s32 $0xFFFFFC18  }
0x47: {  	[hbm4b:s8+s2] =	stream.linear.scatter [tilespmem:s19], [sflag:$0x1], $0x3E8, $0x38;
	[tilespmem:$0x4E20] =	vst v63  }
0x48: {  	_ =	swait.ge [sflag:s15], $0x3E8  }
0x49: {  	[sflag:s15] =	ssyncset.done $0x0  }
0x4a: {  	[sflag:s15] =	ssyncadd.s32 $0xFFFFFC18  }
0x4b: {  	[hbm4b:s9+s2] =	stream.linear.scatter [tilespmem:s20], [sflag:$0x1], $0x3E8, $0x38;
	[tilespmem:$0x4E20] =	vst v63  }
0x4c: {  	_ =	swait.ge [sflag:s15], $0x3E8  }
0x4d: {  	[sflag:s15] =	ssyncset.done $0x0  }
0x4e: {  	[sflag:s15] =	ssyncadd.s32 $0xFFFFFC18  }
0x4f: {  	[hbm4b:s10+s2] =	stream.linear.scatter [tilespmem:s21], [sflag:$0x1], $0x3E8, $0x38;
	[tilespmem:$0x4E20] =	vst v63  }
0x50: {  	_ =	swait.ge [sflag:s15], $0x3E8  }
0x51: {  	[sflag:s15] =	ssyncset.done $0x0  }
0x52: {  	[sflag:s15] =	ssyncadd.s32 $0xFFFFFC18  }
0x53: {  	[hbm4b:s11+s2] =	stream.linear.scatter [tilespmem:s22], [sflag:$0x1], $0x3E8, $0x38;
	[tilespmem:$0x4E20] =	vst v63  }
0x54: {  	_ =	swait.ge [sflag:s15], $0x3E8  }
0x55: {  	[sflag:s15] =	ssyncset.done $0x0  }
0x56: {  	[sflag:s15] =	ssyncadd.s32 $0xFFFFFC18  }
0x57: {  	[hbm4b:s12+s2] =	stream.linear.scatter [tilespmem:s23], [sflag:$0x1], $0x3E8, $0x38;
	[tilespmem:$0x4E20] =	vst v63  }
0x58: {  	_ =	swait.ge [sflag:s15], $0x3E8  }
0x59: {  	[sflag:s15] =	ssyncset.done $0x0  }
0x5a: {  	[sflag:s15] =	ssyncadd.s32 $0xFFFFFC18  }
0x5b: {  	[hbm4b:s13+s2] =	stream.linear.scatter [tilespmem:s24], [sflag:$0x1], $0x3E8, $0x38;
	[tilespmem:$0x4E20] =	vst v63  }
0x5c: {  	s26 =	sadd.s32 $0x1, s26;
	_ =	swait.ge [sflag:s15], $0x3E8  }
0x5d: {  	p0 =	sne.s32 s26, s5;
	[sflag:s15] =	ssyncset.done $0x0  }
.Ltmp2:
0x5e: {  	[sflag:s15] =	ssyncadd.s32 $0xFFFFFC18;
	(pc) =	sbr.rel @p0 .LBB2_1-.Ltmp2, $4  }
0x5f: {  	[hbm4b:s14+s2] =	stream.linear.scatter [tilespmem:s25], [sflag:$0x1], $0x3E8, $0x38;
	[tilespmem:$0x4E20] =	vst v63  }
0x60: {  	_ =	swait.ge [sflag:s15], $0x3E8  }
0x61: {  	[sflag:s15] =	ssyncset.done $0x0  }
0x62: {  	[sflag:s15] =	ssyncadd.s32 $0xFFFFFC18  }
0x63: {  	_ =	sfence.sel $0x180000  }
0x64: {  	[bflag:$0x0] =	sbarrier.arrive $0xFFFF  }
0x65: {  	p0 =	sne.s32 s0, $0x0;
	_ =	strace $0x90000047  }
0x66: {  	s0 =	sadd.s32 @!p0 $0x100000, s1;
	[bflag:$0x2] =	sbarrier.arrive $0xFFFF  }
0x67: {  	[sflag:s0] =	ssyncadd.tile.s32 @!p0 $0x1;
	_ =	shalt  }
.Lfunc_end2:
_tile_overlayer_lowered:
.L_overlay_start_2:
0x68: {  	(tag) =	ssettag $0x2  }
0x69: {  	s0 =	rddreg [dreg:$0x0];
	s2 =	stileid.u32  }
0x6a: {  	s1 =	rddreg [dreg:$0x1];
	p0 =	sne.s32 s2, $0x0  }
0x6b: {  	s3 =	rddreg [dreg:$0x2];
	[bflag:$0x3] =	sbarrier.arrive $0xFFFF;
	s2 =	simm.s32 @!p0 $0x1C02  }
0x6c: {  	[timem:s3], [sflag:s2] =	dma.local @!p0 [hbm:s0], s1  }
0x6d: {  	s0 =	simm.s32 @!p0 $0x2  }
0x6e: {  	_ =	swait.ge @!p0 [sflag:s0], s1  }
0x6f: {  	s1 =	ssub.s32 @!p0 $0x0, s1;
	[sflag:s0] =	ssyncset.done @!p0 $0x0  }
0x70: {  	[sflag:s0] =	ssyncadd.s32 @!p0 s1  }
0x71: {  	[bflag:$0x3] =	sbarrier.arrive $0xFFFF  }
0x72: {  	_ =	shalt  }

// kernel: kernel.9.cloned.1.call-start
scs
__scs_entry_jumppad:
0x0: {  	(pc) =	sbr.rel $0x88, $3  }
0x1: {  	(tag) =	ssettag $0x0;
	lr =	simm.s32 $0x1  }
0x2: {  	[smem:$0x3F9D] =	sst lr;
	_ =	strace $0xD0000000  }
0x3: {  	_ = 	snop  }
0x4: {  	_ = 	snop  }
0x5: {  	_ = 	snop  }
0x6: {  	_ = 	snop  }
0x7: {  	_ = 	snop  }
__scs_overlays_trampoline_lowered:
0x8: {  	[smem:$0x3FAC] =	sst s0  }
0x9: {  	[smem:$0x3FAD] =	sst s1  }
0xa: {  	[smem:$0x3FAE] =	sst s2  }
0xb: {  	[smem:$0x3FAF] =	sst s3  }
0xc: {  	[smem:$0x3FB0] =	sst s4  }
0xd: {  	[smem:$0x3FB1] =	sst s5  }
0xe: {  	[smem:$0x3FB2] =	sst s6  }
0xf: {  	[smem:$0x3FB3] =	sst s7  }
0x10: {  	[smem:$0x3FB4] =	sst s8  }
0x11: {  	[smem:$0x3FB5] =	sst s9;
	s0 =	simm.s32 @!p0 $0x0  }
0x12: {  	s1 =	sld [smem:$0x3F9B];
	s0 =	simm.s32 @p0 $0x1  }
0x13: {  	[smem:$0x3FB6] =	sst s0;
	s0 =	simm.s32 @!p1 $0x0  }
0x14: {  	s2 =	sld [smem:$0x3F9A];
	s0 =	simm.s32 @p1 $0x1  }
0x15: {  	[smem:$0x3FB7] =	sst s0;
	s0 =	simm.s32 @!p2 $0x0  }
0x16: {  	s3 =	sld [smem:$0x3FDB];
	s0 =	simm.s32 @p2 $0x1  }
0x17: {  	s4 =	simm.s32 $0x1BF5;
	[smem:$0x3FB9] =	sst s0  }
0x18: {  	s0 =	sld [smem:$0x3F9C];
	_ =	swait.ge [sflag:s4], $0x0  }
0x19: {  	s7 =	sld [smem:$0x3F9D]  }
0x1a: {  	s8 =	sadd.s32 $0xFFFFE003, lr  }
0x1b: {  	s9 =	sadd.s32 $0xFFFFFEF7, lr;
	s5 =	simm.s32 $0xFFFFFFFF;
	p2 =	slt.u32 s8, $0xFFFFF086  }
0x1c: {  	p1 =	slt.u32 s9, $0xF7A;
	s5 =	simm.s32 @!p2 $0x0  }
0x1d: {  	s5 =	simm.s32 @p1 $0x1;
	p0 =	seq.s32 s7, s2  }
0x1e: {  	s7 =	smul.u32 @!p0 $0xF7A, s2;
	p2 =	seq.s32 @!p0 s5, $0x0  }
0x1f: {  	s9 =	smul.u32 $0xF7A, s1;
	s8 =	simm.s32 @!p0 $0x1BF5;
	p2 =	por !p2, p0  }
0x20: {  	[sflag:s8] =	ssyncset.s32 @!p0 $0xFFFFF086;
	s6 =	sadd.s32 @!p0 s3, s7;
	s7 =	simm.s32 @!p0 $0x108  }
0x21: {  	s3 =	sadd.s32 s3, s9;
	s6 =	sadd.s32 @!p0 $0x88, s6;
	s7 =	simm.s32 @p2 $0x1082  }
0x22: {  	[simem:s7], [sflag:s8] =	dma.local @!p0 [hbm:s6], $0xF7A  }
0x23: {  	s9 =	sor.u32 $0xD0000000, s2;
	s6 =	simm.s32 $0x108;
	_ =	swait.ge @!p0 [sflag:s8], $0x0  }
0x24: {  	s3 =	sadd.s32 $0x88, s3;
	s6 =	simm.s32 @!p1 $0x1082;
	[sflag:s4] =	ssyncset.s32 $0xFFFFF086  }
0x25: {  	[simem:s6], [sflag:s4] =	dma.local [hbm:s3], $0xF7A  }
0x26: {  	[smem:$0x3F9D] =	sst s1;
	(tag) =	ssettag s2;
	_ =	strace s9  }
0x27: {  	s1 =	sld [smem:$0x3FAD]  }
0x28: {  	s2 =	sld [smem:$0x3FAE]  }
0x29: {  	s4 =	sld [smem:$0x3FB0]  }
0x2a: {  	p0 =	seq.s32 s5, $0x0;
	s5 =	sld [smem:$0x3FB1]  }
0x2b: {  	s6 =	sld [smem:$0x3FB2]  }
0x2c: {  	s7 =	sld [smem:$0x3FB3]  }
0x2d: {  	s3 =	simm.s32 $0x108;
	s8 =	sld [smem:$0x3FB4]  }
0x2e: {  	s3 =	simm.s32 @!p0 $0x1082;
	s9 =	sld [smem:$0x3FB5]  }
0x2f: {  	lr =	sadd.s32 s0, s3;
	s0 =	sld [smem:$0x3FAC]  }
0x30: {  	s3 =	sld [smem:$0x3FAF]  }
0x31: {  	[smem:$0x3FB8] =	sst s10  }
0x32: {  	s10 =	sld [smem:$0x3FB6];
	_ =	sdelay $0x3  }
0x33: {  	p0 =	seq.s32 s10, $0x1;
	s10 =	sld [smem:$0x3FB8];
	_ =	sdelay $0x3  }
0x34: {  	[smem:$0x3FB8] =	sst s10  }
0x35: {  	s10 =	sld [smem:$0x3FB7];
	_ =	sdelay $0x3  }
0x36: {  	p1 =	seq.s32 s10, $0x1;
	s10 =	sld [smem:$0x3FB8];
	_ =	sdelay $0x3  }
0x37: {  	[smem:$0x3FB8] =	sst s10  }
0x38: {  	s10 =	sld [smem:$0x3FB9]  }
0x39: {  	_ = 	snop;
	(pc) =	sbr.ind lr, $3  }
0x3a: {  	_ = 	snop  }
0x3b: {  	_ = 	snop  }
0x3c: {  	p2 =	seq.s32 s10, $0x1;
	s10 =	sld [smem:$0x3FB8]  }
0x3d: {  	_ =	shalt  }
0x3e: {  	_ =	shalt  }
0x3f: {  	_ =	shalt  }
0x40: {  	_ =	shalt  }
0x41: {  	_ =	shalt  }
0x42: {  	_ =	shalt  }
0x43: {  	_ =	shalt  }
0x44: {  	_ =	shalt  }
0x45: {  	_ =	shalt  }
0x46: {  	_ =	shalt  }
0x47: {  	_ =	shalt  }
0x48: {  	_ =	shalt  }
0x49: {  	_ =	shalt  }
0x4a: {  	_ =	shalt  }
0x4b: {  	_ =	shalt  }
0x4c: {  	_ =	shalt  }
0x4d: {  	_ =	shalt  }
0x4e: {  	_ =	shalt  }
0x4f: {  	_ =	shalt  }
0x50: {  	_ =	shalt  }
0x51: {  	_ =	shalt  }
0x52: {  	_ =	shalt  }
0x53: {  	_ =	shalt  }
0x54: {  	_ =	shalt  }
0x55: {  	_ =	shalt  }
0x56: {  	_ =	shalt  }
0x57: {  	_ =	shalt  }
0x58: {  	_ =	shalt  }
0x59: {  	_ =	shalt  }
0x5a: {  	_ =	shalt  }
0x5b: {  	_ =	shalt  }
0x5c: {  	_ =	shalt  }
0x5d: {  	_ =	shalt  }
0x5e: {  	_ =	shalt  }
0x5f: {  	_ =	shalt  }
0x60: {  	_ =	shalt  }
0x61: {  	_ =	shalt  }
0x62: {  	_ =	shalt  }
0x63: {  	_ =	shalt  }
0x64: {  	_ =	shalt  }
0x65: {  	_ =	shalt  }
0x66: {  	_ =	shalt  }
0x67: {  	_ =	shalt  }
0x68: {  	_ =	shalt  }
0x69: {  	_ =	shalt  }
0x6a: {  	_ =	shalt  }
0x6b: {  	_ =	shalt  }
0x6c: {  	_ =	shalt  }
0x6d: {  	_ =	shalt  }
0x6e: {  	_ =	shalt  }
0x6f: {  	_ =	shalt  }
0x70: {  	_ =	shalt  }
0x71: {  	_ =	shalt  }
0x72: {  	_ =	shalt  }
0x73: {  	_ =	shalt  }
0x74: {  	_ =	shalt  }
0x75: {  	_ =	shalt  }
0x76: {  	_ =	shalt  }
0x77: {  	_ =	shalt  }
0x78: {  	_ =	shalt  }
0x79: {  	_ =	shalt  }
0x7a: {  	_ =	shalt  }
0x7b: {  	_ =	shalt  }
0x7c: {  	_ =	shalt  }
0x7d: {  	_ =	shalt  }
0x7e: {  	_ =	shalt  }
0x7f: {  	_ =	shalt  }
0x80: {  	_ =	shalt  }
0x81: {  	_ =	shalt  }
0x82: {  	_ =	shalt  }
0x83: {  	_ =	shalt  }
0x84: {  	_ =	shalt  }
0x85: {  	_ =	shalt  }
0x86: {  	_ =	shalt  }
0x87: {  	_ =	shalt  }
.Lfunc_end0:
.L_simem_size_0:
called_computation.1_lowered:
.L_overlay_start_0:
0x88: {  	s2 =	sld [smem:$0x3FD9]  }
0x89: {  	s3 =	sld [smem:$0x3FFE];
	_ =	sdelay $0x1  }
0x8a: {  	s1 =	srdreg.scid  }
0x8b: {  	s0 =	sand.u32 $0x1, s1  }
0x8c: {  	s17 =	sshll.u32 s0, $0xA;
	s2 =	sadd.s32 s3, s2  }
0x8d: {  	s2 =	sadd.s32 s2, s17  }
0x8e: {  	[smem:$0x3FC4] =	sst s2  }
0x8f: {  	_ = 	snop  }
0x90: {  	s2 =	sld [smem:$0x3FD0];
	(tm) =	ssettm $0x1  }
0x91: {  	s18 =	sld [smem:$0x3FFB];
	_ =	sdelay $0x3  }
0x92: {  	_ =	strace s18  }
0x93: {  	s3 =	sld [smem:$0x3FFC];
	_ =	sdelay $0x3  }
0x94: {  	_ =	strace s3  }
0x95: {  	s3 =	sld [smem:$0x3FFD];
	_ =	sdelay $0x3  }
0x96: {  	_ =	strace s3  }
0x97: {  	_ =	strace $0x8FFFFFFF  }
0x98: {  	s19 =	sld [smem:$0x3FDB];
	_ =	sdelay $0x1  }
0x99: {  	s4 =	simm.s32 $_scs_section_size  }
0x9a: {  	s5 =	simm.s32 $_size__tile_overlayer_lowered;
	s6 =	simm.s32 $_tile_overlayer_lowered  }
0x9b: {  	s22 =	simm.s32 $0x1BFF;
	s21 =	sshll.u32 s6, $0x1;
	s3 =	sadd.s32 s4, s19  }
0x9c: {  	s7 =	simm.s32 $0x0;
	s20 =	sshll.u32 s5, $0x1;
	s5 =	sadd.s32 s21, s3  }
0x9d: {  	[timem:s7], [sflag:s22] =	dma.local [hbm:s5], s20  }
0x9e: {  	_ =	swait.ge [sflag:s22], s20  }
0x9f: {  	s4 =	ssub.s32 $0x0, s20;
	[sflag:s22] =	ssyncset.done $0x0  }
0xa0: {  	[sflag:s22] =	ssyncadd.s32 s4;
	_ =	sdelay $0x1  }
0xa1: {  	s23 =	simm.s32 $0x1B8B  }
0xa2: {  	_ =	swait.ge [sflag:s23], $0x1  }
0xa3: {  	[sflag:s23] =	ssyncset.done $0x0  }
0xa4: {  	s25 =	simm.s32 $0x1B8E;
	s24 =	sld [smem:$0x3FFE];
	[sflag:s23] =	ssyncadd.s32 $0xFFFFFFFF  }
0xa5: {  	s26 =	simm.s32 $execute0_lowered;
	[smem:$0x3FD2] =	sst s25  }
0xa6: {  	s5 =	sshll.u32 s26, $0x1;
	_ =	strace $0x80000049;
	[dreg:$0x1] =	wrdreg $0xFFFFFFFF  }
0xa7: {  	s28 =	simm.s32 $_size_execute0_lowered;
	s3 =	sadd.s32 s3, s5;
	[dreg:$0x0] =	wrdreg $0x0  }
0xa8: {  	s5 =	sshll.u32 s28, $0x1;
	[dreg:$0x2] =	wrdreg s3  }
0xa9: {  	[dreg:$0x3] =	wrdreg s5  }
0xaa: {  	[dreg:$0x4] =	wrdreg $0xC0  }
0xab: {  	_ =	task [dreg:s7], $0x5FFFF  }
0xac: {  	[dreg:$0x1] =	wrdreg $0xFFFFFFFF  }
0xad: {  	[dreg:$0x0] =	wrdreg $0x60  }
0xae: {  	[dreg:$0x2] =	wrdreg s2  }
0xaf: {  	[dreg:$0x3] =	wrdreg s24  }
0xb0: {  	[dreg:$0x4] =	wrdreg $0xC6200  }
0xb1: {  	[dreg:$0x5] =	wrdreg $0x9  }
0xb2: {  	_ =	task.clear_ibuf [dreg:s7], $0x6FFFF;
	_ =	strace $0x90000049  }
0xb3: {  	s29 =	simm.s32 $0x9;
	_ =	strace $0x8000004B  }
0xb4: {  	_ =	swait.ge [sflag:s29], $0x1  }
0xb5: {  	[sflag:s29] =	ssyncadd.s32 $0xFFFFFFFF  }
0xb6: {  	_ =	strace $0x9000004B  }
0xb7: {  	_ =	sfence  }
0xb8: {  	s30 =	sld [smem:$0x0];
	_ =	sdelay $0x2  }
0xb9: {  	s31 =	sshll.u32 s1, $0xD;
	s1 =	sshrl.u32 s1, $0x2  }
0xba: {  	s3 =	sand.u32 $0x4000, s31;
	s1 =	sadd.s32 s1, s30  }
0xbb: {  	s0 =	sor.u32 s3, s0;
	s1 =	sshll.u32 s1, $0x11  }
0xbc: {  	s0 =	sor.u32 s1, s0  }
0xbd: {  	s0 =	sadd.s32 $0x8F2B, s0  }
0xbe: {  	[sflag:s0] =	ssyncadd.remote.s32 $0x1  }
0xbf: {  	_ =	sfence.sel $0xFFFF  }
0xc0: {  	[dreg:$0x0] =	wrdreg $0xFFFFFFFF;
	(pc) =	sbr.abs _section_cstart, $3  }
0xc1: {  	[dreg:$0x1] =	wrdreg $0xFFFFFFFF  }
0xc2: {  	_ =	task.clear_ibuf [dreg:s7], $0x2FFFF;
	_ =	strace $0x9FFFFFFF  }
0xc3: {  	(tm) =	ssettm $0x7FFFFFFF  }
tec
execute0_lowered:
.L_overlay_start_1:
0x0: {  	(tag) =	ssettag $0x1  }
0x1: {  	s2 =	rddreg [dreg:$0x0]  }
0x2: {  	s0 =	rddreg [dreg:$0x1];
	s1 =	srdreg.scid  }
0x3: {  	s3 =	rddreg [dreg:$0x2];
	s11 =	stileid.u32  }
0x4: {  	s4 =	simm.s32 $0x0;
	s12 =	simm.s32 $0x2;
	s15 =	simm.s32 $0x7  }
0x5: {  	s16 =	simm.s32 $0x50;
	s17 =	simm.s32 $0x4E20;
	s18 =	simm.s32 $0x7620  }
0x6: {  	s20 =	simm.s32 $0x9E20;
	s21 =	simm.s32 $0x4;
	s22 =	simm.s32 $0x3  }
0x7: {  	s28 =	simm.s32 $0x4D30;
	s29 =	simm.s32 $0x26C0;
	s30 =	simm.s32 $0x4D80  }
0x8: {  	s31 =	simm.s32 $0x4DD0;
	s1 =	sand.u32 $0x1, s1;
	s7 =	smul.u32 $0x13880, s11  }
0x9: {  	[smem:$0x7FF] =	sst s4;
	s9 =	sadd.s32 $0x15400, s0;
	s26 =	sshll.u32 s11, $0x6  }
0xa: {  	s5 =	sshll.u32 s1, $0x4;
	s6 =	smul.u32 $0x138800, s1;
	_ =	strace $0x8000004A  }
0xb: {  	s8 =	ssub.s32 $0x2, s1;
	p0 =	seq.s32 s1, $0x0;
	s13 =	sor.u32 $0x1C07, s26  }
0xc: {  	s26 =	simm.s32 $0x2670;
	s5 =	sor.u32 s11, s5;
	s23 =	sshrl.u32 s8, $0x1  }
0xd: {  	s24 =	sadd.s32 s7, s3;
	s25 =	sshrl.u32 s7, $0x3;
	s9 =	smov.u32 @p0 s2  }
0xe: {  	s11 =	simm.s32 $0x2710;
	s5 =	smul.u32 $0x2710, s5;
	s6 =	sadd.s32 s7, s6  }
0xf: {  	s8 =	ssub.s32 s8, s23;
	s9 =	sadd.s32 s9, s25;
	s14 =	sshrl.u32 s24, $0x3  }
0x10: {  	s23 =	simm.s32 $0x5;
	s24 =	simm.s32 $0x6;
	s5 =	sshrl.u32 s5, $0x3  }
0x11: {  	s6 =	sshrl.u32 s6, $0x3;
	s8 =	smax.u32 s8, $0x1;
	s10 =	sadd.s32 s5, s0  }
0x12: {  	s0 =	sadd.s32 s6, s0;
	s5 =	sadd.s32 $0x1A00, s10;
	s6 =	sadd.s32 $0xB640, s10  }
0x13: {  	s7 =	sadd.s32 $0x3C600, s0;
	s10 =	simm.s32 $0x1;
	s0 =	simm.s32 $0x0  }
.LBB2_1:
0x14: {  	[tilespmem:s4], [sflag:$0x1] =	stream.linear.gather [hbm4b:s5+s4], $0x2710, $0x38;
	[tilespmem:$0x1FEA0] =	vst v63  }
0x15: {  	_ =	swait.ge [sflag:s10], $0x2710  }
0x16: {  	[sflag:s10] =	ssyncset.done $0x0  }
0x17: {  	[sflag:s10] =	ssyncadd.s32 $0xFFFFD8F0  }
0x18: {  	[tilespmem:s11], [sflag:$0x2] =	stream.linear.gather [hbm4b:s6+s4], $0x2710, $0x38;
	[tilespmem:$0x1FEA0] =	vst v63  }
0x19: {  	_ =	swait.ge [sflag:s12], $0x2710  }
0x1a: {  	[sflag:s12] =	ssyncset.done $0x0  }
0x1b: {  	[sflag:s12] =	ssyncadd.s32 $0xFFFFD8F0  }
0x1c: {  	[spmem:s14], [sflag:s13] =	dma.local [hbm:s9], $0x2710  }
0x1d: {  	_ =	swait.ge [sflag:s15], $0x2710  }
0x1e: {  	[sflag:s15] =	ssyncset.done $0x0  }
0x1f: {  	[sflag:s15] =	ssyncadd.s32 $0xFFFFD8F0  }
0x20: {  	[bflag:$0x0] =	sbarrier.arrive $0xFFFF  }
0x21: {  	[tilespmem:s17], [sflag:$0x1] =	stream.indirect.gather [hbm4b:s2+s16], $0x80, s4, s16, $0xb8;
	[tilespmem:$0x1FEA0] =	vst v63  }
0x22: {  	_ = 	snop  }
0x23: {  	[tilespmem:s18], [sflag:$0x2] =	stream.indirect.gather [hbm4b:s2+s16], $0x80, s16, s16, $0xb8;
	[tilespmem:$0x1FEA0] =	vst v63  }
0x24: {  	_ =	swait.ge [sflag:s10], $0x2800  }
0x25: {  	[sflag:s10] =	ssyncset.done $0x0  }
0x26: {  	[sflag:s10] =	ssyncadd.s32 $0xFFFFD800  }
0x27: {  	[spmem:s3] =	stream.indirect.scatter.add.f32 [tilespmem:s17], [sflag:$0x4], $0x80, s11, s16, $0xb8;
	[tilespmem:$0x1FEA0] =	vst v63  }
0x28: {  	s1 =	simm.s32 $0xA0  }
0x29: {  	[tilespmem:s20], [sflag:$0x3] =	stream.indirect.gather [hbm4b:s2+s16], $0x80, s1, s16, $0xb8;
	[tilespmem:$0x1FEA0] =	vst v63  }
0x2a: {  	_ =	swait.ge [sflag:s12], $0x2800  }
0x2b: {  	[sflag:s12] =	ssyncset.done $0x0  }
0x2c: {  	s25 =	simm.s32 $0x2760;
	[sflag:s12] =	ssyncadd.s32 $0xFFFFD800  }
0x2d: {  	[spmem:s3] =	stream.indirect.scatter.add.f32 [tilespmem:s18], [sflag:$0x5], $0x80, s25, s16, $0xb8;
	[tilespmem:$0x1FEA0] =	vst v63  }
0x2e: {  	_ =	swait.ge [sflag:s21], $0x2800  }
0x2f: {  	[sflag:s21] =	ssyncset.done $0x0  }
0x30: {  	s19 =	simm.s32 $0xF0;
	[sflag:s21] =	ssyncadd.s32 $0xFFFFD800  }
0x31: {  	[tilespmem:s17], [sflag:$0x1] =	stream.indirect.gather [hbm4b:s2+s16], $0x80, s19, s16, $0xb8;
	[tilespmem:$0x1FEA0] =	vst v63  }
0x32: {  	_ =	swait.ge [sflag:s22], $0x2800  }
0x33: {  	[sflag:s22] =	ssyncset.done $0x0  }
0x34: {  	s25 =	simm.s32 $0x27B0;
	[sflag:s22] =	ssyncadd.s32 $0xFFFFD800  }
0x35: {  	[spmem:s3] =	stream.indirect.scatter.add.f32 [tilespmem:s20], [sflag:$0x6], $0x80, s25, s16, $0xb8;
	[tilespmem:$0x1FEA0] =	vst v63  }
0x36: {  	_ =	swait.ge [sflag:s23], $0x2800  }
0x37: {  	[sflag:s23] =	ssyncset.done $0x0  }
0x38: {  	s19 =	simm.s32 $0x140;
	[sflag:s23] =	ssyncadd.s32 $0xFFFFD800  }
0x39: {  	[tilespmem:s18], [sflag:$0x2] =	stream.indirect.gather [hbm4b:s2+s16], $0x80, s19, s16, $0xb8;
	[tilespmem:$0x1FEA0] =	vst v63  }
0x3a: {  	_ =	swait.ge [sflag:s10], $0x2800  }
0x3b: {  	[sflag:s10] =	ssyncset.done $0x0  }
0x3c: {  	s25 =	simm.s32 $0x2800;
	[sflag:s10] =	ssyncadd.s32 $0xFFFFD800  }
0x3d: {  	[spmem:s3] =	stream.indirect.scatter.add.f32 [tilespmem:s17], [sflag:$0x4], $0x80, s25, s16, $0xb8;
	[tilespmem:$0x1FEA0] =	vst v63  }
0x3e: {  	_ =	swait.ge [sflag:s24], $0x2800  }
0x3f: {  	[sflag:s24] =	ssyncset.done $0x0  }
0x40: {  	s1 =	simm.s32 $0x3C0;
	s19 =	simm.s32 $0x190;
	[sflag:s24] =	ssyncadd.s32 $0xFFFFD800  }
.LBB2_2:
0x41: {  	[tilespmem:s20], [sflag:$0x3] =	stream.indirect.gather [hbm4b:s2+s16], $0x80, s19, s16, $0xb8;
	[tilespmem:$0x1FEA0] =	vst v63  }
0x42: {  	s19 =	smov.u32 s1  }
0x43: {  	p0 =	sne.s32 s1, $0x9240;
	s1 =	sadd.s32 $0x3C0, s1;
	_ =	swait.ge [sflag:s12], $0x2800  }
0x44: {  	s19 =	sshra.s32 s19, $0x2;
	[sflag:s12] =	ssyncset.done $0x0  }
0x45: {  	s25 =	sadd.s32 $0x2760, s19;
	[sflag:s12] =	ssyncadd.s32 $0xFFFFD800  }
0x46: {  	[spmem:s3] =	stream.indirect.scatter.add.f32 [tilespmem:s18], [sflag:$0x5], $0x80, s25, s16, $0xb8;
	[tilespmem:$0x1FEA0] =	vst v63  }
0x47: {  	_ =	swait.ge [sflag:s21], $0x2800  }
0x48: {  	[sflag:s21] =	ssyncset.done $0x0  }
0x49: {  	s25 =	sadd.s32 $0xF0, s19;
	[sflag:s21] =	ssyncadd.s32 $0xFFFFD800  }
0x4a: {  	[tilespmem:s17], [sflag:$0x1] =	stream.indirect.gather [hbm4b:s2+s16], $0x80, s25, s16, $0xb8;
	[tilespmem:$0x1FEA0] =	vst v63  }
0x4b: {  	_ =	swait.ge [sflag:s22], $0x2800  }
0x4c: {  	[sflag:s22] =	ssyncset.done $0x0  }
0x4d: {  	s25 =	sadd.s32 $0x27B0, s19;
	[sflag:s22] =	ssyncadd.s32 $0xFFFFD800  }
0x4e: {  	[spmem:s3] =	stream.indirect.scatter.add.f32 [tilespmem:s20], [sflag:$0x6], $0x80, s25, s16, $0xb8;
	[tilespmem:$0x1FEA0] =	vst v63  }
0x4f: {  	_ =	swait.ge [sflag:s23], $0x2800  }
0x50: {  	[sflag:s23] =	ssyncset.done $0x0  }
0x51: {  	s25 =	sadd.s32 $0x140, s19;
	[sflag:s23] =	ssyncadd.s32 $0xFFFFD800  }
0x52: {  	[tilespmem:s18], [sflag:$0x2] =	stream.indirect.gather [hbm4b:s2+s16], $0x80, s25, s16, $0xb8;
	[tilespmem:$0x1FEA0] =	vst v63  }
0x53: {  	_ =	swait.ge [sflag:s10], $0x2800  }
0x54: {  	[sflag:s10] =	ssyncset.done $0x0  }
.Ltmp0:
0x55: {  	s25 =	sadd.s32 $0x2800, s19;
	[sflag:s10] =	ssyncadd.s32 $0xFFFFD800;
	(pc) =	sbr.rel @p0 .LBB2_2-.Ltmp0, $4  }
0x56: {  	[spmem:s3] =	stream.indirect.scatter.add.f32 [tilespmem:s17], [sflag:$0x4], $0x80, s25, s16, $0xb8;
	[tilespmem:$0x1FEA0] =	vst v63  }
0x57: {  	_ =	swait.ge [sflag:s24], $0x2800  }
0x58: {  	[sflag:s24] =	ssyncset.done $0x0  }
0x59: {  	s19 =	sadd.s32 $0x190, s19;
	[sflag:s24] =	ssyncadd.s32 $0xFFFFD800  }
0x5a: {  	[tilespmem:s20], [sflag:$0x3] =	stream.indirect.gather [hbm4b:s2+s16], $0x80, s19, s16, $0xb8;
	[tilespmem:$0x1FEA0] =	vst v63  }
0x5b: {  	_ =	swait.ge [sflag:s12], $0x2800  }
0x5c: {  	[sflag:s12] =	ssyncset.done $0x0  }
0x5d: {  	s1 =	simm.s32 $0x4CE0;
	[sflag:s12] =	ssyncadd.s32 $0xFFFFD800  }
0x5e: {  	[spmem:s3] =	stream.indirect.scatter.add.f32 [tilespmem:s18], [sflag:$0x5], $0x80, s1, s16, $0xb8;
	[tilespmem:$0x1FEA0] =	vst v63  }
0x5f: {  	_ =	swait.ge [sflag:s21], $0x2800  }
0x60: {  	[sflag:s21] =	ssyncset.done $0x0  }
0x61: {  	[sflag:s21] =	ssyncadd.s32 $0xFFFFD800  }
0x62: {  	[tilespmem:s17], [sflag:$0x1] =	stream.indirect.gather [hbm4b:s2+s16], $0x80, s26, s16, $0xb8;
	[tilespmem:$0x1FEA0] =	vst v63  }
0x63: {  	_ =	swait.ge [sflag:s22], $0x2800  }
0x64: {  	[sflag:s22] =	ssyncset.done $0x0  }
0x65: {  	[sflag:s22] =	ssyncadd.s32 $0xFFFFD800  }
0x66: {  	[spmem:s3] =	stream.indirect.scatter.add.f32 [tilespmem:s20], [sflag:$0x6], $0x80, s28, s16, $0xb8;
	[tilespmem:$0x1FEA0] =	vst v63  }
0x67: {  	_ =	swait.ge [sflag:s23], $0x2800  }
0x68: {  	[sflag:s23] =	ssyncset.done $0x0  }
0x69: {  	[sflag:s23] =	ssyncadd.s32 $0xFFFFD800  }
0x6a: {  	[tilespmem:s18], [sflag:$0x2] =	stream.indirect.gather [hbm4b:s2+s16], $0x80, s29, s16, $0xb8;
	[tilespmem:$0x1FEA0] =	vst v63  }
0x6b: {  	_ =	swait.ge [sflag:s10], $0x2800  }
0x6c: {  	[sflag:s10] =	ssyncset.done $0x0  }
0x6d: {  	[sflag:s10] =	ssyncadd.s32 $0xFFFFD800  }
0x6e: {  	[spmem:s3] =	stream.indirect.scatter.add.f32 [tilespmem:s17], [sflag:$0x4], $0x80, s30, s16, $0xb8;
	[tilespmem:$0x1FEA0] =	vst v63  }
0x6f: {  	_ =	swait.ge [sflag:s24], $0x2800  }
0x70: {  	[sflag:s24] =	ssyncset.done $0x0  }
0x71: {  	[sflag:s24] =	ssyncadd.s32 $0xFFFFD800  }
0x72: {  	_ =	swait.ge [sflag:s12], $0x2800  }
0x73: {  	[sflag:s12] =	ssyncset.done $0x0  }
0x74: {  	[sflag:s12] =	ssyncadd.s32 $0xFFFFD800  }
0x75: {  	[spmem:s3] =	stream.indirect.scatter.add.f32 [tilespmem:s18], [sflag:$0x5], $0x80, s31, s16, $0xb8;
	[tilespmem:$0x1FEA0] =	vst v63  }
0x76: {  	_ =	swait.ge [sflag:s21], $0x2800  }
0x77: {  	[sflag:s21] =	ssyncset.done $0x0  }
0x78: {  	[sflag:s21] =	ssyncadd.s32 $0xFFFFD800  }
0x79: {  	_ =	swait.ge [sflag:s23], $0x2800  }
0x7a: {  	s0 =	sadd.s32 $0x1, s0;
	[sflag:s23] =	ssyncset.done $0x0  }
0x7b: {  	p0 =	sne.s32 s0, s8;
	[sflag:s23] =	ssyncadd.s32 $0xFFFFD800  }
.Ltmp1:
0x7c: {  	[bflag:$0x0] =	sbarrier.arrive $0xFFFF;
	(pc) =	sbr.rel @p0 .LBB2_1-.Ltmp1, $4  }
0x7d: {  	[hbm:s7], [sflag:s13] =	dma.local [spmem:s14], $0x2710  }
0x7e: {  	_ =	swait.ge [sflag:s15], $0x2710  }
0x7f: {  	[sflag:s15] =	ssyncset.done $0x0  }
0x80: {  	[sflag:s15] =	ssyncadd.s32 $0xFFFFD8F0  }
0x81: {  	_ =	sfence.sel $0x180000  }
0x82: {  	[bflag:$0x0] =	sbarrier.arrive $0xFFFF  }
0x83: {  	_ =	strace $0x9000004A  }
0x84: {  	s0 =	stileid.u32;
	[bflag:$0x2] =	sbarrier.arrive $0xFFFF  }
0x85: {  	p0 =	sne.s32 s0, $0x0;
	s0 =	rddreg [dreg:$0x3]  }
0x86: {  	s0 =	sadd.s32 @!p0 $0x100000, s0  }
0x87: {  	[sflag:s0] =	ssyncadd.tile.s32 @!p0 $0x1;
	_ =	shalt  }
.Lfunc_end2:
_tile_overlayer_lowered:
.L_overlay_start_2:
0x88: {  	(tag) =	ssettag $0x2  }
0x89: {  	s0 =	rddreg [dreg:$0x0];
	s2 =	stileid.u32  }
0x8a: {  	s1 =	rddreg [dreg:$0x1];
	p0 =	sne.s32 s2, $0x0  }
0x8b: {  	s3 =	rddreg [dreg:$0x2];
	[bflag:$0x3] =	sbarrier.arrive $0xFFFF;
	s2 =	simm.s32 @!p0 $0x1C07  }
0x8c: {  	[timem:s3], [sflag:s2] =	dma.local @!p0 [hbm:s0], s1  }
0x8d: {  	s0 =	simm.s32 @!p0 $0x7  }
0x8e: {  	_ =	swait.ge @!p0 [sflag:s0], s1  }
0x8f: {  	s1 =	ssub.s32 @!p0 $0x0, s1;
	[sflag:s0] =	ssyncset.done @!p0 $0x0  }
0x90: {  	[sflag:s0] =	ssyncadd.s32 @!p0 s1  }
0x91: {  	[bflag:$0x3] =	sbarrier.arrive $0xFFFF  }
0x92: {  	_ =	shalt  }

</sc_bundles>
